<compile_context>
chip_gen: v7x
topology: tpu7x:2x2x1
jax: 0.10.2.dev20260603
libtpu: 0.0.44.dev20260713+nightly
codegen_flags: <defaults>
</compile_context>

<pallas_src>
import functools

import jax
import jax.numpy as jnp
from jax import lax
from jax.experimental import pallas as pl
from jax.experimental.pallas import tpu as pltpu
from jax.experimental.pallas import tpu_sc as plsc

_T = 16 * 1024
_D = 256
_K = 8192

_TB = 4096
_MM = 1024
_LW = 128
_NT = _T // _TB
_WINDOW_END_STEPS = (2816 // _LW - 1, 5632 // _LW - 1, _K // _LW - 1)


_STEPS_PER_MM = _MM // _LW


def _plan_groups():
    groups, prev = [], -1
    for end in _WINDOW_END_STEPS:
        g = prev + 1
        while g <= end:
            size = min(4, end - g + 1, _STEPS_PER_MM - (g % _STEPS_PER_MM))
            groups.append((g, size, g + size - 1 == end))
            g += size
        prev = end
    return groups

_GROUPS = _plan_groups()


def _argmin_body(x_ref, cb2_ref, xn_ref, cn_ref, idx_ref):
    x_bf = x_ref[...]
    xn = xn_ref[...]

    inf1 = jnp.full((_TB, 1), jnp.inf, jnp.float32)
    infl = jnp.full((_TB, _LW), jnp.inf, jnp.float32)
    zerl = jnp.zeros((_TB, _LW), jnp.float32)
    lane_iota = lax.broadcasted_iota(
        jnp.int32, (_TB, _LW), 1).astype(jnp.float32)
    lane_v, lane_s = infl, zerl
    acc_v, acc_i = inf1, jnp.zeros((_TB, 1), jnp.float32)

    s2 = None
    cur_mm = -1
    for gstep0, size, win_end in _GROUPS:
        if gstep0 // _STEPS_PER_MM != cur_mm:
            cur_mm = gstep0 // _STEPS_PER_MM
            cb2_blk = cb2_ref[pl.ds(cur_mm * _MM, _MM), :]
            s2 = lax.dot_general(
                x_bf, cb2_blk, (((1,), (1,)), ((), ())),
                preferred_element_type=jnp.float32)

        def dstep(g):
            j = g % _STEPS_PER_MM
            cn_blk = cn_ref[0:1, pl.ds(g * _LW, _LW)]
            return (xn + cn_blk) - s2[:, j * _LW:(j + 1) * _LW]

        def pair(d0, s0, d1, s1):
            v = jnp.minimum(d0, d1)
            lt = d1 < d0
            s_ = jnp.where(lt, s1, s0)
            return v, s_

        g = gstep0
        if size == 4:
            d0, d1, d2, d3 = dstep(g), dstep(g + 1), dstep(g + 2), dstep(g + 3)
            v01, s01 = pair(d0, jnp.float32(g), d1, jnp.float32(g + 1))
            v23, s23 = pair(d2, jnp.float32(g + 2), d3, jnp.float32(g + 3))
            v_g = jnp.minimum(v01, v23)
            s_g = jnp.where(v23 < v01, s23, s01)
        elif size == 2:
            v_g, s_g = pair(dstep(g), jnp.float32(g),
                            dstep(g + 1), jnp.float32(g + 1))
        else:
            v_g, s_g = dstep(g), jnp.full((_TB, _LW), jnp.float32(g))

        upd = v_g < lane_v
        lane_v = jnp.where(upd, v_g, lane_v)
        lane_s = jnp.where(upd, s_g, lane_s)

        if win_end:
            m = jnp.min(lane_v, axis=1, keepdims=True)
            kk = lane_s * jnp.float32(_LW) + lane_iota
            io = jnp.min(jnp.where(lane_v == m, kk, jnp.float32(1e9)),
                         axis=1, keepdims=True)
            lt = m < acc_v
            acc_i = jnp.where(lt, io, acc_i)
            acc_v = jnp.where(lt, m, acc_v)
            acc_v = acc_v.astype(jnp.bfloat16).astype(jnp.float32)
            lane_v, lane_s = infl, zerl

    idx_ref[...] = acc_i.astype(jnp.int32)


def _argmin_call(x_bf, cb2_bf, xn, cn):
    idx2 = pl.pallas_call(
        _argmin_body,
        grid=(_NT,),
        in_specs=[
            pl.BlockSpec((_TB, _D), lambda t: (t, 0)),
            pl.BlockSpec((_K, _D), lambda t: (0, 0)),
            pl.BlockSpec((_TB, 1), lambda t: (t, 0)),
            pl.BlockSpec((1, _K), lambda t: (0, 0)),
        ],
        out_specs=pl.BlockSpec((_TB, 1), lambda t: (t, 0)),
        out_shape=jax.ShapeDtypeStruct((_T, 1), jnp.int32),
        compiler_params=pltpu.CompilerParams(
            dimension_semantics=("arbitrary",)),
    )(x_bf, cb2_bf, xn, cn)
    return idx2.reshape(_T)


_CH = 128


def _make_gather():
    info = plsc.get_sparse_core_info()
    nw = info.num_cores * info.num_subcores
    b_per_w = _T // nw
    n_chunks = b_per_w // _CH
    mesh = plsc.VectorSubcoreMesh(core_axis_name="c", subcore_axis_name="s")

    @functools.partial(
        pl.kernel, mesh=mesh,
        out_type=jax.ShapeDtypeStruct((_T, _D), jnp.float32),
        scratch_types=[
            pltpu.VMEM((_CH,), jnp.int32),
            pltpu.VMEM((_CH, _D), jnp.float32),
            pltpu.SemaphoreType.DMA,
        ],
    )
    def gather(idx_hbm, table_hbm, out_hbm, idx_v, rows_v, sem):
        wid = lax.axis_index("s") * info.num_cores + lax.axis_index("c")
        base = wid * b_per_w
        for c in range(n_chunks):
            off = base + c * _CH
            pltpu.sync_copy(idx_hbm.at[pl.ds(off, _CH)], idx_v)
            pltpu.async_copy(table_hbm.at[idx_v], rows_v, sem).wait()
            pltpu.sync_copy(rows_v, out_hbm.at[pl.ds(off, _CH)])

    return gather


def kernel(x, codebook):
    B, S, D = x.shape
    x2d = x.reshape(B * S, D)
    cb = codebook.reshape(-1, D)
    xn = jnp.sum(x ** 2, axis=-1, keepdims=True).reshape(B * S, 1)
    cn = jnp.sum(codebook[0] ** 2, axis=-1).reshape(1, -1)
    x_bf = x2d.astype(jnp.bfloat16)
    cb2_bf = (cb * 2.0).astype(jnp.bfloat16)
    idx = _argmin_call(x_bf, cb2_bf, xn, cn)
    out = _make_gather()(idx, cb)
    return out.reshape(B, S, D)

# --- scband reference (transcript-rebuilt; emitter-appended) ---
"""Pipeline reference for scband-vector-quantizer-41412074668463 (READ-ONLY COPY).

The authoritative reference and input builder live on the scoring server;
editing this copy changes nothing except your own understanding.
"""

import jax, jax.numpy as jnp
import numpy as np

CODEBOOK_DIM = 256
CODEBOOK_SIZE = 8192
NUM_GROUPS = 1


def setup_inputs(seed: int = 0) -> dict:
    key = jax.random.key(seed)
    k_x, k_cb = jax.random.split(key)
    B, S, D = 16, 1024, CODEBOOK_DIM
    x = jax.random.normal(k_x, (B, S, D), dtype=jnp.float32)
    d = CODEBOOK_DIM // NUM_GROUPS
    # kaiming_uniform_ on each [K, d] group: bound = sqrt(6 / fan_in), fan_in = d
    bound = float(np.sqrt(6.0 / d))
    codebook = jax.random.uniform(
        k_cb, (NUM_GROUPS, CODEBOOK_SIZE, d), dtype=jnp.float32,
        minval=-bound, maxval=bound)
    return {"x": x, "codebook": codebook}


def reference(x, codebook):
    B, S, D = x.shape
    G = codebook.shape[0]
    d = D // G
    x_grouped = x.reshape(B, S, G, d)
    quant_groups = []
    for g in range(G):
        x_g = x_grouped[:, :, g, :]
        group = codebook[g]
        x_norm = jnp.sum(x_g ** 2, axis=-1, keepdims=True)
        codebook_norm = jnp.sum(group ** 2, axis=-1)
        dist = x_norm + codebook_norm[None, None, :] - 2.0 * (x_g @ group.T)
        indices = jnp.argmin(dist, axis=-1)
        quant_groups.append(jnp.take(group, indices, axis=0))
    quantized = jnp.stack(quant_groups, axis=2).reshape(B, S, D)
    return x + jax.lax.stop_gradient(quantized - x)

if __name__ == "__main__":
    import jax
    _d = setup_inputs()
    print(jax.jit(kernel)(*tuple(_d.values())))

</pallas_src>

<mosaic_0001>
#map = affine_map<(d0, d1) -> (0)>
#map1 = affine_map<(d0, d1) -> (0, 0)>
module attributes {stable_mosaic.version = 14 : i64} {
  func.func @gather(%arg0: i32, %arg1: i32, %arg2: memref<16384xi32, #tpu.memory_space<hbm>>, %arg3: memref<8192x256xf32, #tpu.memory_space<hbm>>, %arg4: memref<16384x256xf32, #tpu.memory_space<hbm>>, %arg5: memref<128xi32, #tpu.memory_space<vmem>>, %arg6: memref<128x256xf32, #tpu.memory_space<vmem>>, %arg7: memref<!tpu.dma_semaphore, #tpu.memory_space<semaphore_mem>>) attributes {dimension_semantics = [#tpu.dimension_semantics<core_parallel>, #tpu.dimension_semantics<subcore_parallel>], iteration_bounds = array<i64: 2, 16>, scalar_prefetch = 0 : i64, scratch_operands = 3 : i64, tpu.core_type = #tpu.core_type<sc_vector_subcore>, window_params = [{transform_indices = #map}, {transform_indices = #map1}, {transform_indices = #map1}]} {
    %mul3A = arith.constant 2 : i32
    %mul3A_0 = arith.muli %arg1, %mul3A : i32
    %add3A = arith.addi %mul3A_0, %arg0 : i32
    %mul3A_1 = arith.constant 512 : i32
    %mul3A_2 = arith.muli %add3A, %mul3A_1 : i32
    %add3A_3 = arith.constant 0 : i32
    %add3A_4 = arith.addi %mul3A_2, %add3A_3 : i32
    "tpu.region"() ({
      %run_scoped3A = tpu.sem_alloc : memref<!tpu.dma_semaphore, #tpu.memory_space<semaphore_mem>>
      %dma_start3A_33 = tpu.memref_slice %arg2[%add3A_4] : memref<16384xi32, #tpu.memory_space<hbm>> -> memref<128xi32, #tpu.memory_space<hbm>>
      %dma_start3A_34 = tpu.memref_slice %arg2[%add3A_4] : memref<16384xi32, #tpu.memory_space<hbm>> -> memref<128xi32, #tpu.memory_space<hbm>>
      tpu.enqueue_dma source(%dma_start3A_34 : memref<128xi32, #tpu.memory_space<hbm>>) target(%arg5 : memref<128xi32, #tpu.memory_space<vmem>>) target_semaphore(%run_scoped3A : memref<!tpu.dma_semaphore, #tpu.memory_space<semaphore_mem>>)
      %dma_wait3A_35 = tpu.memref_slice %arg2[%add3A_4] : memref<16384xi32, #tpu.memory_space<hbm>> -> memref<128xi32, #tpu.memory_space<hbm>>
      %dma_wait3A_36 = tpu.memref_slice %arg2[%add3A_4] : memref<16384xi32, #tpu.memory_space<hbm>> -> memref<128xi32, #tpu.memory_space<hbm>>
      tpu.wait_dma2 semaphore(%run_scoped3A : memref<!tpu.dma_semaphore, #tpu.memory_space<semaphore_mem>>) src(%dma_wait3A_36 : memref<128xi32, #tpu.memory_space<hbm>>) dst(%arg5 : memref<128xi32, #tpu.memory_space<vmem>>)
      tpu.yield
    }) : () -> ()
    %dma_start3A = arith.constant 0 : i32
    %dma_start3A_5 = arith.constant 0 : i32
    %dma_start3A_6 = tpu.memref_slice %arg3[%dma_start3A, %dma_start3A_5] : memref<8192x256xf32, #tpu.memory_space<hbm>> -> memref<8192x256xf32, #tpu.memory_space<hbm>>
    tpu.enqueue_indirect_dma source(%dma_start3A_6 : memref<8192x256xf32, #tpu.memory_space<hbm>>) target(%arg6 : memref<128x256xf32, #tpu.memory_space<vmem>>) offsets(%arg5 : memref<128xi32, #tpu.memory_space<vmem>>) semaphore(%arg7 : memref<!tpu.dma_semaphore, #tpu.memory_space<semaphore_mem>>)
    %dma_wait3A = arith.constant 0 : i32
    %dma_wait3A_7 = arith.constant 0 : i32
    %dma_wait3A_8 = tpu.memref_slice %arg3[%dma_wait3A, %dma_wait3A_7] : memref<8192x256xf32, #tpu.memory_space<hbm>> -> memref<8192x256xf32, #tpu.memory_space<hbm>>
    tpu.wait_indirect_dma semaphore(%arg7 : memref<!tpu.dma_semaphore, #tpu.memory_space<semaphore_mem>>) src(%dma_wait3A_8 : memref<8192x256xf32, #tpu.memory_space<hbm>>) dst(%arg6 : memref<128x256xf32, #tpu.memory_space<vmem>>)
    "tpu.region"() ({
      %run_scoped3A = tpu.sem_alloc : memref<!tpu.dma_semaphore, #tpu.memory_space<semaphore_mem>>
      %dma_start3A_33 = arith.constant 0 : i32
      %dma_start3A_34 = tpu.memref_slice %arg4[%add3A_4, %dma_start3A_33] : memref<16384x256xf32, #tpu.memory_space<hbm>> -> memref<128x256xf32, #tpu.memory_space<hbm>>
      %dma_start3A_35 = arith.constant 0 : i32
      %dma_start3A_36 = tpu.memref_slice %arg4[%add3A_4, %dma_start3A_35] : memref<16384x256xf32, #tpu.memory_space<hbm>> -> memref<128x256xf32, #tpu.memory_space<hbm>>
      tpu.enqueue_dma source(%arg6 : memref<128x256xf32, #tpu.memory_space<vmem>>) target(%dma_start3A_36 : memref<128x256xf32, #tpu.memory_space<hbm>>) target_semaphore(%run_scoped3A : memref<!tpu.dma_semaphore, #tpu.memory_space<semaphore_mem>>)
      %dma_wait3A_37 = arith.constant 0 : i32
      %dma_wait3A_38 = tpu.memref_slice %arg4[%add3A_4, %dma_wait3A_37] : memref<16384x256xf32, #tpu.memory_space<hbm>> -> memref<128x256xf32, #tpu.memory_space<hbm>>
      %dma_wait3A_39 = arith.constant 0 : i32
      %dma_wait3A_40 = tpu.memref_slice %arg4[%add3A_4, %dma_wait3A_39] : memref<16384x256xf32, #tpu.memory_space<hbm>> -> memref<128x256xf32, #tpu.memory_space<hbm>>
      tpu.wait_dma2 semaphore(%run_scoped3A : memref<!tpu.dma_semaphore, #tpu.memory_space<semaphore_mem>>) src(%arg6 : memref<128x256xf32, #tpu.memory_space<vmem>>) dst(%dma_wait3A_40 : memref<128x256xf32, #tpu.memory_space<hbm>>)
      tpu.yield
    }) : () -> ()
    %add3A_9 = arith.constant 128 : i32
    %add3A_10 = arith.addi %mul3A_2, %add3A_9 : i32
    "tpu.region"() ({
      %run_scoped3A = tpu.sem_alloc : memref<!tpu.dma_semaphore, #tpu.memory_space<semaphore_mem>>
      %dma_start3A_33 = tpu.memref_slice %arg2[%add3A_10] : memref<16384xi32, #tpu.memory_space<hbm>> -> memref<128xi32, #tpu.memory_space<hbm>>
      %dma_start3A_34 = tpu.memref_slice %arg2[%add3A_10] : memref<16384xi32, #tpu.memory_space<hbm>> -> memref<128xi32, #tpu.memory_space<hbm>>
      tpu.enqueue_dma source(%dma_start3A_34 : memref<128xi32, #tpu.memory_space<hbm>>) target(%arg5 : memref<128xi32, #tpu.memory_space<vmem>>) target_semaphore(%run_scoped3A : memref<!tpu.dma_semaphore, #tpu.memory_space<semaphore_mem>>)
      %dma_wait3A_35 = tpu.memref_slice %arg2[%add3A_10] : memref<16384xi32, #tpu.memory_space<hbm>> -> memref<128xi32, #tpu.memory_space<hbm>>
      %dma_wait3A_36 = tpu.memref_slice %arg2[%add3A_10] : memref<16384xi32, #tpu.memory_space<hbm>> -> memref<128xi32, #tpu.memory_space<hbm>>
      tpu.wait_dma2 semaphore(%run_scoped3A : memref<!tpu.dma_semaphore, #tpu.memory_space<semaphore_mem>>) src(%dma_wait3A_36 : memref<128xi32, #tpu.memory_space<hbm>>) dst(%arg5 : memref<128xi32, #tpu.memory_space<vmem>>)
      tpu.yield
    }) : () -> ()
    %dma_start3A_11 = arith.constant 0 : i32
    %dma_start3A_12 = arith.constant 0 : i32
    %dma_start3A_13 = tpu.memref_slice %arg3[%dma_start3A_11, %dma_start3A_12] : memref<8192x256xf32, #tpu.memory_space<hbm>> -> memref<8192x256xf32, #tpu.memory_space<hbm>>
    tpu.enqueue_indirect_dma source(%dma_start3A_13 : memref<8192x256xf32, #tpu.memory_space<hbm>>) target(%arg6 : memref<128x256xf32, #tpu.memory_space<vmem>>) offsets(%arg5 : memref<128xi32, #tpu.memory_space<vmem>>) semaphore(%arg7 : memref<!tpu.dma_semaphore, #tpu.memory_space<semaphore_mem>>)
    %dma_wait3A_14 = arith.constant 0 : i32
    %dma_wait3A_15 = arith.constant 0 : i32
    %dma_wait3A_16 = tpu.memref_slice %arg3[%dma_wait3A_14, %dma_wait3A_15] : memref<8192x256xf32, #tpu.memory_space<hbm>> -> memref<8192x256xf32, #tpu.memory_space<hbm>>
    tpu.wait_indirect_dma semaphore(%arg7 : memref<!tpu.dma_semaphore, #tpu.memory_space<semaphore_mem>>) src(%dma_wait3A_16 : memref<8192x256xf32, #tpu.memory_space<hbm>>) dst(%arg6 : memref<128x256xf32, #tpu.memory_space<vmem>>)
    "tpu.region"() ({
      %run_scoped3A = tpu.sem_alloc : memref<!tpu.dma_semaphore, #tpu.memory_space<semaphore_mem>>
      %dma_start3A_33 = arith.constant 0 : i32
      %dma_start3A_34 = tpu.memref_slice %arg4[%add3A_10, %dma_start3A_33] : memref<16384x256xf32, #tpu.memory_space<hbm>> -> memref<128x256xf32, #tpu.memory_space<hbm>>
      %dma_start3A_35 = arith.constant 0 : i32
      %dma_start3A_36 = tpu.memref_slice %arg4[%add3A_10, %dma_start3A_35] : memref<16384x256xf32, #tpu.memory_space<hbm>> -> memref<128x256xf32, #tpu.memory_space<hbm>>
      tpu.enqueue_dma source(%arg6 : memref<128x256xf32, #tpu.memory_space<vmem>>) target(%dma_start3A_36 : memref<128x256xf32, #tpu.memory_space<hbm>>) target_semaphore(%run_scoped3A : memref<!tpu.dma_semaphore, #tpu.memory_space<semaphore_mem>>)
      %dma_wait3A_37 = arith.constant 0 : i32
      %dma_wait3A_38 = tpu.memref_slice %arg4[%add3A_10, %dma_wait3A_37] : memref<16384x256xf32, #tpu.memory_space<hbm>> -> memref<128x256xf32, #tpu.memory_space<hbm>>
      %dma_wait3A_39 = arith.constant 0 : i32
      %dma_wait3A_40 = tpu.memref_slice %arg4[%add3A_10, %dma_wait3A_39] : memref<16384x256xf32, #tpu.memory_space<hbm>> -> memref<128x256xf32, #tpu.memory_space<hbm>>
      tpu.wait_dma2 semaphore(%run_scoped3A : memref<!tpu.dma_semaphore, #tpu.memory_space<semaphore_mem>>) src(%arg6 : memref<128x256xf32, #tpu.memory_space<vmem>>) dst(%dma_wait3A_40 : memref<128x256xf32, #tpu.memory_space<hbm>>)
      tpu.yield
    }) : () -> ()
    %add3A_17 = arith.constant 256 : i32
    %add3A_18 = arith.addi %mul3A_2, %add3A_17 : i32
    "tpu.region"() ({
      %run_scoped3A = tpu.sem_alloc : memref<!tpu.dma_semaphore, #tpu.memory_space<semaphore_mem>>
      %dma_start3A_33 = tpu.memref_slice %arg2[%add3A_18] : memref<16384xi32, #tpu.memory_space<hbm>> -> memref<128xi32, #tpu.memory_space<hbm>>
      %dma_start3A_34 = tpu.memref_slice %arg2[%add3A_18] : memref<16384xi32, #tpu.memory_space<hbm>> -> memref<128xi32, #tpu.memory_space<hbm>>
      tpu.enqueue_dma source(%dma_start3A_34 : memref<128xi32, #tpu.memory_space<hbm>>) target(%arg5 : memref<128xi32, #tpu.memory_space<vmem>>) target_semaphore(%run_scoped3A : memref<!tpu.dma_semaphore, #tpu.memory_space<semaphore_mem>>)
      %dma_wait3A_35 = tpu.memref_slice %arg2[%add3A_18] : memref<16384xi32, #tpu.memory_space<hbm>> -> memref<128xi32, #tpu.memory_space<hbm>>
      %dma_wait3A_36 = tpu.memref_slice %arg2[%add3A_18] : memref<16384xi32, #tpu.memory_space<hbm>> -> memref<128xi32, #tpu.memory_space<hbm>>
      tpu.wait_dma2 semaphore(%run_scoped3A : memref<!tpu.dma_semaphore, #tpu.memory_space<semaphore_mem>>) src(%dma_wait3A_36 : memref<128xi32, #tpu.memory_space<hbm>>) dst(%arg5 : memref<128xi32, #tpu.memory_space<vmem>>)
      tpu.yield
    }) : () -> ()
    %dma_start3A_19 = arith.constant 0 : i32
    %dma_start3A_20 = arith.constant 0 : i32
    %dma_start3A_21 = tpu.memref_slice %arg3[%dma_start3A_19, %dma_start3A_20] : memref<8192x256xf32, #tpu.memory_space<hbm>> -> memref<8192x256xf32, #tpu.memory_space<hbm>>
    tpu.enqueue_indirect_dma source(%dma_start3A_21 : memref<8192x256xf32, #tpu.memory_space<hbm>>) target(%arg6 : memref<128x256xf32, #tpu.memory_space<vmem>>) offsets(%arg5 : memref<128xi32, #tpu.memory_space<vmem>>) semaphore(%arg7 : memref<!tpu.dma_semaphore, #tpu.memory_space<semaphore_mem>>)
    %dma_wait3A_22 = arith.constant 0 : i32
    %dma_wait3A_23 = arith.constant 0 : i32
    %dma_wait3A_24 = tpu.memref_slice %arg3[%dma_wait3A_22, %dma_wait3A_23] : memref<8192x256xf32, #tpu.memory_space<hbm>> -> memref<8192x256xf32, #tpu.memory_space<hbm>>
    tpu.wait_indirect_dma semaphore(%arg7 : memref<!tpu.dma_semaphore, #tpu.memory_space<semaphore_mem>>) src(%dma_wait3A_24 : memref<8192x256xf32, #tpu.memory_space<hbm>>) dst(%arg6 : memref<128x256xf32, #tpu.memory_space<vmem>>)
    "tpu.region"() ({
      %run_scoped3A = tpu.sem_alloc : memref<!tpu.dma_semaphore, #tpu.memory_space<semaphore_mem>>
      %dma_start3A_33 = arith.constant 0 : i32
      %dma_start3A_34 = tpu.memref_slice %arg4[%add3A_18, %dma_start3A_33] : memref<16384x256xf32, #tpu.memory_space<hbm>> -> memref<128x256xf32, #tpu.memory_space<hbm>>
      %dma_start3A_35 = arith.constant 0 : i32
      %dma_start3A_36 = tpu.memref_slice %arg4[%add3A_18, %dma_start3A_35] : memref<16384x256xf32, #tpu.memory_space<hbm>> -> memref<128x256xf32, #tpu.memory_space<hbm>>
      tpu.enqueue_dma source(%arg6 : memref<128x256xf32, #tpu.memory_space<vmem>>) target(%dma_start3A_36 : memref<128x256xf32, #tpu.memory_space<hbm>>) target_semaphore(%run_scoped3A : memref<!tpu.dma_semaphore, #tpu.memory_space<semaphore_mem>>)
      %dma_wait3A_37 = arith.constant 0 : i32
      %dma_wait3A_38 = tpu.memref_slice %arg4[%add3A_18, %dma_wait3A_37] : memref<16384x256xf32, #tpu.memory_space<hbm>> -> memref<128x256xf32, #tpu.memory_space<hbm>>
      %dma_wait3A_39 = arith.constant 0 : i32
      %dma_wait3A_40 = tpu.memref_slice %arg4[%add3A_18, %dma_wait3A_39] : memref<16384x256xf32, #tpu.memory_space<hbm>> -> memref<128x256xf32, #tpu.memory_space<hbm>>
      tpu.wait_dma2 semaphore(%run_scoped3A : memref<!tpu.dma_semaphore, #tpu.memory_space<semaphore_mem>>) src(%arg6 : memref<128x256xf32, #tpu.memory_space<vmem>>) dst(%dma_wait3A_40 : memref<128x256xf32, #tpu.memory_space<hbm>>)
      tpu.yield
    }) : () -> ()
    %add3A_25 = arith.constant 384 : i32
    %add3A_26 = arith.addi %mul3A_2, %add3A_25 : i32
    "tpu.region"() ({
      %run_scoped3A = tpu.sem_alloc : memref<!tpu.dma_semaphore, #tpu.memory_space<semaphore_mem>>
      %dma_start3A_33 = tpu.memref_slice %arg2[%add3A_26] : memref<16384xi32, #tpu.memory_space<hbm>> -> memref<128xi32, #tpu.memory_space<hbm>>
      %dma_start3A_34 = tpu.memref_slice %arg2[%add3A_26] : memref<16384xi32, #tpu.memory_space<hbm>> -> memref<128xi32, #tpu.memory_space<hbm>>
      tpu.enqueue_dma source(%dma_start3A_34 : memref<128xi32, #tpu.memory_space<hbm>>) target(%arg5 : memref<128xi32, #tpu.memory_space<vmem>>) target_semaphore(%run_scoped3A : memref<!tpu.dma_semaphore, #tpu.memory_space<semaphore_mem>>)
      %dma_wait3A_35 = tpu.memref_slice %arg2[%add3A_26] : memref<16384xi32, #tpu.memory_space<hbm>> -> memref<128xi32, #tpu.memory_space<hbm>>
      %dma_wait3A_36 = tpu.memref_slice %arg2[%add3A_26] : memref<16384xi32, #tpu.memory_space<hbm>> -> memref<128xi32, #tpu.memory_space<hbm>>
      tpu.wait_dma2 semaphore(%run_scoped3A : memref<!tpu.dma_semaphore, #tpu.memory_space<semaphore_mem>>) src(%dma_wait3A_36 : memref<128xi32, #tpu.memory_space<hbm>>) dst(%arg5 : memref<128xi32, #tpu.memory_space<vmem>>)
      tpu.yield
    }) : () -> ()
    %dma_start3A_27 = arith.constant 0 : i32
    %dma_start3A_28 = arith.constant 0 : i32
    %dma_start3A_29 = tpu.memref_slice %arg3[%dma_start3A_27, %dma_start3A_28] : memref<8192x256xf32, #tpu.memory_space<hbm>> -> memref<8192x256xf32, #tpu.memory_space<hbm>>
    tpu.enqueue_indirect_dma source(%dma_start3A_29 : memref<8192x256xf32, #tpu.memory_space<hbm>>) target(%arg6 : memref<128x256xf32, #tpu.memory_space<vmem>>) offsets(%arg5 : memref<128xi32, #tpu.memory_space<vmem>>) semaphore(%arg7 : memref<!tpu.dma_semaphore, #tpu.memory_space<semaphore_mem>>)
    %dma_wait3A_30 = arith.constant 0 : i32
    %dma_wait3A_31 = arith.constant 0 : i32
    %dma_wait3A_32 = tpu.memref_slice %arg3[%dma_wait3A_30, %dma_wait3A_31] : memref<8192x256xf32, #tpu.memory_space<hbm>> -> memref<8192x256xf32, #tpu.memory_space<hbm>>
    tpu.wait_indirect_dma semaphore(%arg7 : memref<!tpu.dma_semaphore, #tpu.memory_space<semaphore_mem>>) src(%dma_wait3A_32 : memref<8192x256xf32, #tpu.memory_space<hbm>>) dst(%arg6 : memref<128x256xf32, #tpu.memory_space<vmem>>)
    "tpu.region"() ({
      %run_scoped3A = tpu.sem_alloc : memref<!tpu.dma_semaphore, #tpu.memory_space<semaphore_mem>>
      %dma_start3A_33 = arith.constant 0 : i32
      %dma_start3A_34 = tpu.memref_slice %arg4[%add3A_26, %dma_start3A_33] : memref<16384x256xf32, #tpu.memory_space<hbm>> -> memref<128x256xf32, #tpu.memory_space<hbm>>
      %dma_start3A_35 = arith.constant 0 : i32
      %dma_start3A_36 = tpu.memref_slice %arg4[%add3A_26, %dma_start3A_35] : memref<16384x256xf32, #tpu.memory_space<hbm>> -> memref<128x256xf32, #tpu.memory_space<hbm>>
      tpu.enqueue_dma source(%arg6 : memref<128x256xf32, #tpu.memory_space<vmem>>) target(%dma_start3A_36 : memref<128x256xf32, #tpu.memory_space<hbm>>) target_semaphore(%run_scoped3A : memref<!tpu.dma_semaphore, #tpu.memory_space<semaphore_mem>>)
      %dma_wait3A_37 = arith.constant 0 : i32
      %dma_wait3A_38 = tpu.memref_slice %arg4[%add3A_26, %dma_wait3A_37] : memref<16384x256xf32, #tpu.memory_space<hbm>> -> memref<128x256xf32, #tpu.memory_space<hbm>>
      %dma_wait3A_39 = arith.constant 0 : i32
      %dma_wait3A_40 = tpu.memref_slice %arg4[%add3A_26, %dma_wait3A_39] : memref<16384x256xf32, #tpu.memory_space<hbm>> -> memref<128x256xf32, #tpu.memory_space<hbm>>
      tpu.wait_dma2 semaphore(%run_scoped3A : memref<!tpu.dma_semaphore, #tpu.memory_space<semaphore_mem>>) src(%arg6 : memref<128x256xf32, #tpu.memory_space<vmem>>) dst(%dma_wait3A_40 : memref<128x256xf32, #tpu.memory_space<hbm>>)
      tpu.yield
    }) : () -> ()
    return
  }
}

module attributes {stable_mosaic.version = 14 : i64} {
  func.func @_argmin_body(%arg0: i32, %arg1: memref<4096x256xbf16, #tpu.memory_space<vmem>>, %arg2: memref<8192x256xbf16, #tpu.memory_space<vmem>>, %arg3: memref<4096x1xf32, #tpu.memory_space<vmem>>, %arg4: memref<1x8192xf32, #tpu.memory_space<vmem>>, %arg5: memref<4096x1xi32, #tpu.memory_space<vmem>>) attributes {dimension_semantics = [#tpu.dimension_semantics<arbitrary>], iteration_bounds = array<i64: 4>, scalar_prefetch = 0 : i64, scratch_operands = 0 : i64, tpu.core_type = #tpu.core_type<tc>, window_params = [{transform_indices = @transform_0, window_bounds = array<i64: 4096, 256>}, {pipeline_mode = #tpu.pipeline_mode<synchronous>, transform_indices = @transform_1, window_bounds = array<i64: 8192, 256>}, {transform_indices = @transform_2, window_bounds = array<i64: 4096, 1>}, {pipeline_mode = #tpu.pipeline_mode<synchronous>, transform_indices = @transform_3, window_bounds = array<i64: 1, 8192>}, {transform_indices = @transform_4, window_bounds = array<i64: 4096, 1>}]} {
    %get3A = arith.constant 0 : index
    %get3A_0 = arith.constant 0 : index
    %get3A_1 = vector.load %arg1[%get3A, %get3A_0] : memref<4096x256xbf16, #tpu.memory_space<vmem>>, vector<4096x256xbf16>
    %get3A_2 = arith.constant 0 : index
    %get3A_3 = arith.constant 0 : index
    %get3A_4 = vector.load %arg3[%get3A_2, %get3A_3] : memref<4096x1xf32, #tpu.memory_space<vmem>>, vector<4096x1xf32>
    %broadcast_in_dim3A = arith.constant 0x7F800000 : f32
    %broadcast_in_dim3A_5 = vector.broadcast %broadcast_in_dim3A : f32 to vector<4096x1xf32>
    %broadcast_in_dim3A_6 = arith.constant 0x7F800000 : f32
    %broadcast_in_dim3A_7 = vector.broadcast %broadcast_in_dim3A_6 : f32 to vector<4096x128xf32>
    %broadcast_in_dim3A_8 = arith.constant 0.000000e+00 : f32
    %broadcast_in_dim3A_9 = vector.broadcast %broadcast_in_dim3A_8 : f32 to vector<4096x128xf32>
    %iota3A = tpu.iota {dimensions = array<i32: 1>} : vector<4096x128xi32>
    %convert_element_type3A = arith.sitofp %iota3A : vector<4096x128xi32> to vector<4096x128xf32>
    %broadcast_in_dim3A_10 = arith.constant 0.000000e+00 : f32
    %broadcast_in_dim3A_11 = vector.broadcast %broadcast_in_dim3A_10 : f32 to vector<4096x1xf32>
    %get3A_12 = arith.constant 0 : index
    %get3A_13 = arith.constant 0 : index
    %get3A_14 = vector.load %arg2[%get3A_12, %get3A_13] : memref<8192x256xbf16, #tpu.memory_space<vmem>>, vector<1024x256xbf16>
    %dot_general3A = arith.constant dense<0.000000e+00> : vector<4096x1024xf32>
    %dot_general3A_15 = tpu.matmul %get3A_1, %get3A_14, %dot_general3A {dimension_numbers = #tpu.dot_dimension_numbers<[1], [1], [0], [0], [0, 0, 1, 0], [], []>, transpose_lhs_hint = false} : vector<4096x256xbf16>, vector<1024x256xbf16>, vector<4096x1024xf32> -> vector<4096x1024xf32>
    %get3A_16 = arith.constant 0 : index
    %get3A_17 = arith.constant 0 : index
    %get3A_18 = vector.load %arg4[%get3A_16, %get3A_17] : memref<1x8192xf32, #tpu.memory_space<vmem>>, vector<1x128xf32>
    %add3A = vector.broadcast %get3A_4 : vector<4096x1xf32> to vector<4096x128xf32>
    %add3A_19 = vector.broadcast %get3A_18 : vector<1x128xf32> to vector<4096x128xf32>
    %add3A_20 = arith.addf %add3A, %add3A_19 : vector<4096x128xf32>
    %slice3A = vector.extract_strided_slice %dot_general3A_15 {offsets = [0, 0], sizes = [4096, 128], strides = [1, 1]} : vector<4096x1024xf32> to vector<4096x128xf32>
    %sub3A = arith.subf %add3A_20, %slice3A : vector<4096x128xf32>
    %get3A_21 = arith.constant 0 : index
    %get3A_22 = arith.constant 128 : index
    %get3A_23 = vector.load %arg4[%get3A_21, %get3A_22] : memref<1x8192xf32, #tpu.memory_space<vmem>>, vector<1x128xf32>
    %add3A_24 = vector.broadcast %get3A_4 : vector<4096x1xf32> to vector<4096x128xf32>
    %add3A_25 = vector.broadcast %get3A_23 : vector<1x128xf32> to vector<4096x128xf32>
    %add3A_26 = arith.addf %add3A_24, %add3A_25 : vector<4096x128xf32>
    %slice3A_27 = vector.extract_strided_slice %dot_general3A_15 {offsets = [0, 128], sizes = [4096, 128], strides = [1, 1]} : vector<4096x1024xf32> to vector<4096x128xf32>
    %sub3A_28 = arith.subf %add3A_26, %slice3A_27 : vector<4096x128xf32>
    %get3A_29 = arith.constant 0 : index
    %get3A_30 = arith.constant 256 : index
    %get3A_31 = vector.load %arg4[%get3A_29, %get3A_30] : memref<1x8192xf32, #tpu.memory_space<vmem>>, vector<1x128xf32>
    %add3A_32 = vector.broadcast %get3A_4 : vector<4096x1xf32> to vector<4096x128xf32>
    %add3A_33 = vector.broadcast %get3A_31 : vector<1x128xf32> to vector<4096x128xf32>
    %add3A_34 = arith.addf %add3A_32, %add3A_33 : vector<4096x128xf32>
    %slice3A_35 = vector.extract_strided_slice %dot_general3A_15 {offsets = [0, 256], sizes = [4096, 128], strides = [1, 1]} : vector<4096x1024xf32> to vector<4096x128xf32>
    %sub3A_36 = arith.subf %add3A_34, %slice3A_35 : vector<4096x128xf32>
    %get3A_37 = arith.constant 0 : index
    %get3A_38 = arith.constant 384 : index
    %get3A_39 = vector.load %arg4[%get3A_37, %get3A_38] : memref<1x8192xf32, #tpu.memory_space<vmem>>, vector<1x128xf32>
    %add3A_40 = vector.broadcast %get3A_4 : vector<4096x1xf32> to vector<4096x128xf32>
    %add3A_41 = vector.broadcast %get3A_39 : vector<1x128xf32> to vector<4096x128xf32>
    %add3A_42 = arith.addf %add3A_40, %add3A_41 : vector<4096x128xf32>
    %slice3A_43 = vector.extract_strided_slice %dot_general3A_15 {offsets = [0, 384], sizes = [4096, 128], strides = [1, 1]} : vector<4096x1024xf32> to vector<4096x128xf32>
    %sub3A_44 = arith.subf %add3A_42, %slice3A_43 : vector<4096x128xf32>
    %min3A = arith.minimumf %sub3A, %sub3A_28 : vector<4096x128xf32>
    %lt3A = arith.cmpf olt, %sub3A_28, %sub3A : vector<4096x128xf32>
    %jit3A = arith.constant 1.000000e+00 : f32
    %jit3A_45 = arith.constant 0.000000e+00 : f32
    %broadcast_in_dim3A_46 = vector.broadcast %jit3A : f32 to vector<4096x128xf32>
    %broadcast_in_dim3A_47 = vector.broadcast %jit3A_45 : f32 to vector<4096x128xf32>
    %select_n3A = arith.select %lt3A, %broadcast_in_dim3A_46, %broadcast_in_dim3A_47 : vector<4096x128xi1>, vector<4096x128xf32>
    %min3A_48 = arith.minimumf %sub3A_36, %sub3A_44 : vector<4096x128xf32>
    %lt3A_49 = arith.cmpf olt, %sub3A_44, %sub3A_36 : vector<4096x128xf32>
    %jit3A_50 = arith.constant 3.000000e+00 : f32
    %jit3A_51 = arith.constant 2.000000e+00 : f32
    %broadcast_in_dim3A_52 = vector.broadcast %jit3A_50 : f32 to vector<4096x128xf32>
    %broadcast_in_dim3A_53 = vector.broadcast %jit3A_51 : f32 to vector<4096x128xf32>
    %select_n3A_54 = arith.select %lt3A_49, %broadcast_in_dim3A_52, %broadcast_in_dim3A_53 : vector<4096x128xi1>, vector<4096x128xf32>
    %min3A_55 = arith.minimumf %min3A, %min3A_48 : vector<4096x128xf32>
    %lt3A_56 = arith.cmpf olt, %min3A_48, %min3A : vector<4096x128xf32>
    %select_n3A_57 = arith.select %lt3A_56, %select_n3A_54, %select_n3A : vector<4096x128xi1>, vector<4096x128xf32>
    %lt3A_58 = arith.cmpf olt, %min3A_55, %broadcast_in_dim3A_7 : vector<4096x128xf32>
    %select_n3A_59 = arith.select %lt3A_58, %min3A_55, %broadcast_in_dim3A_7 : vector<4096x128xi1>, vector<4096x128xf32>
    %select_n3A_60 = arith.select %lt3A_58, %select_n3A_57, %broadcast_in_dim3A_9 : vector<4096x128xi1>, vector<4096x128xf32>
    %get3A_61 = arith.constant 0 : index
    %get3A_62 = arith.constant 512 : index
    %get3A_63 = vector.load %arg4[%get3A_61, %get3A_62] : memref<1x8192xf32, #tpu.memory_space<vmem>>, vector<1x128xf32>
    %add3A_64 = vector.broadcast %get3A_4 : vector<4096x1xf32> to vector<4096x128xf32>
    %add3A_65 = vector.broadcast %get3A_63 : vector<1x128xf32> to vector<4096x128xf32>
    %add3A_66 = arith.addf %add3A_64, %add3A_65 : vector<4096x128xf32>
    %slice3A_67 = vector.extract_strided_slice %dot_general3A_15 {offsets = [0, 512], sizes = [4096, 128], strides = [1, 1]} : vector<4096x1024xf32> to vector<4096x128xf32>
    %sub3A_68 = arith.subf %add3A_66, %slice3A_67 : vector<4096x128xf32>
    %get3A_69 = arith.constant 0 : index
    %get3A_70 = arith.constant 640 : index
    %get3A_71 = vector.load %arg4[%get3A_69, %get3A_70] : memref<1x8192xf32, #tpu.memory_space<vmem>>, vector<1x128xf32>
    %add3A_72 = vector.broadcast %get3A_4 : vector<4096x1xf32> to vector<4096x128xf32>
    %add3A_73 = vector.broadcast %get3A_71 : vector<1x128xf32> to vector<4096x128xf32>
    %add3A_74 = arith.addf %add3A_72, %add3A_73 : vector<4096x128xf32>
    %slice3A_75 = vector.extract_strided_slice %dot_general3A_15 {offsets = [0, 640], sizes = [4096, 128], strides = [1, 1]} : vector<4096x1024xf32> to vector<4096x128xf32>
    %sub3A_76 = arith.subf %add3A_74, %slice3A_75 : vector<4096x128xf32>
    %get3A_77 = arith.constant 0 : index
    %get3A_78 = arith.constant 768 : index
    %get3A_79 = vector.load %arg4[%get3A_77, %get3A_78] : memref<1x8192xf32, #tpu.memory_space<vmem>>, vector<1x128xf32>
    %add3A_80 = vector.broadcast %get3A_4 : vector<4096x1xf32> to vector<4096x128xf32>
    %add3A_81 = vector.broadcast %get3A_79 : vector<1x128xf32> to vector<4096x128xf32>
    %add3A_82 = arith.addf %add3A_80, %add3A_81 : vector<4096x128xf32>
    %slice3A_83 = vector.extract_strided_slice %dot_general3A_15 {offsets = [0, 768], sizes = [4096, 128], strides = [1, 1]} : vector<4096x1024xf32> to vector<4096x128xf32>
    %sub3A_84 = arith.subf %add3A_82, %slice3A_83 : vector<4096x128xf32>
    %get3A_85 = arith.constant 0 : index
    %get3A_86 = arith.constant 896 : index
    %get3A_87 = vector.load %arg4[%get3A_85, %get3A_86] : memref<1x8192xf32, #tpu.memory_space<vmem>>, vector<1x128xf32>
    %add3A_88 = vector.broadcast %get3A_4 : vector<4096x1xf32> to vector<4096x128xf32>
    %add3A_89 = vector.broadcast %get3A_87 : vector<1x128xf32> to vector<4096x128xf32>
    %add3A_90 = arith.addf %add3A_88, %add3A_89 : vector<4096x128xf32>
    %slice3A_91 = vector.extract_strided_slice %dot_general3A_15 {offsets = [0, 896], sizes = [4096, 128], strides = [1, 1]} : vector<4096x1024xf32> to vector<4096x128xf32>
    %sub3A_92 = arith.subf %add3A_90, %slice3A_91 : vector<4096x128xf32>
    %min3A_93 = arith.minimumf %sub3A_68, %sub3A_76 : vector<4096x128xf32>
    %lt3A_94 = arith.cmpf olt, %sub3A_76, %sub3A_68 : vector<4096x128xf32>
    %jit3A_95 = arith.constant 5.000000e+00 : f32
    %jit3A_96 = arith.constant 4.000000e+00 : f32
    %broadcast_in_dim3A_97 = vector.broadcast %jit3A_95 : f32 to vector<4096x128xf32>
    %broadcast_in_dim3A_98 = vector.broadcast %jit3A_96 : f32 to vector<4096x128xf32>
    %select_n3A_99 = arith.select %lt3A_94, %broadcast_in_dim3A_97, %broadcast_in_dim3A_98 : vector<4096x128xi1>, vector<4096x128xf32>
    %min3A_100 = arith.minimumf %sub3A_84, %sub3A_92 : vector<4096x128xf32>
    %lt3A_101 = arith.cmpf olt, %sub3A_92, %sub3A_84 : vector<4096x128xf32>
    %jit3A_102 = arith.constant 7.000000e+00 : f32
    %jit3A_103 = arith.constant 6.000000e+00 : f32
    %broadcast_in_dim3A_104 = vector.broadcast %jit3A_102 : f32 to vector<4096x128xf32>
    %broadcast_in_dim3A_105 = vector.broadcast %jit3A_103 : f32 to vector<4096x128xf32>
    %select_n3A_106 = arith.select %lt3A_101, %broadcast_in_dim3A_104, %broadcast_in_dim3A_105 : vector<4096x128xi1>, vector<4096x128xf32>
    %min3A_107 = arith.minimumf %min3A_93, %min3A_100 : vector<4096x128xf32>
    %lt3A_108 = arith.cmpf olt, %min3A_100, %min3A_93 : vector<4096x128xf32>
    %select_n3A_109 = arith.select %lt3A_108, %select_n3A_106, %select_n3A_99 : vector<4096x128xi1>, vector<4096x128xf32>
    %lt3A_110 = arith.cmpf olt, %min3A_107, %select_n3A_59 : vector<4096x128xf32>
    %select_n3A_111 = arith.select %lt3A_110, %min3A_107, %select_n3A_59 : vector<4096x128xi1>, vector<4096x128xf32>
    %select_n3A_112 = arith.select %lt3A_110, %select_n3A_109, %select_n3A_60 : vector<4096x128xi1>, vector<4096x128xf32>
    %get3A_113 = arith.constant 1024 : index
    %get3A_114 = arith.constant 0 : index
    %get3A_115 = vector.load %arg2[%get3A_113, %get3A_114] : memref<8192x256xbf16, #tpu.memory_space<vmem>>, vector<1024x256xbf16>
    %dot_general3A_116 = arith.constant dense<0.000000e+00> : vector<4096x1024xf32>
    %dot_general3A_117 = tpu.matmul %get3A_1, %get3A_115, %dot_general3A_116 {dimension_numbers = #tpu.dot_dimension_numbers<[1], [1], [0], [0], [0, 0, 1, 0], [], []>, transpose_lhs_hint = false} : vector<4096x256xbf16>, vector<1024x256xbf16>, vector<4096x1024xf32> -> vector<4096x1024xf32>
    %get3A_118 = arith.constant 0 : index
    %get3A_119 = arith.constant 1024 : index
    %get3A_120 = vector.load %arg4[%get3A_118, %get3A_119] : memref<1x8192xf32, #tpu.memory_space<vmem>>, vector<1x128xf32>
    %add3A_121 = vector.broadcast %get3A_4 : vector<4096x1xf32> to vector<4096x128xf32>
    %add3A_122 = vector.broadcast %get3A_120 : vector<1x128xf32> to vector<4096x128xf32>
    %add3A_123 = arith.addf %add3A_121, %add3A_122 : vector<4096x128xf32>
    %slice3A_124 = vector.extract_strided_slice %dot_general3A_117 {offsets = [0, 0], sizes = [4096, 128], strides = [1, 1]} : vector<4096x1024xf32> to vector<4096x128xf32>
    %sub3A_125 = arith.subf %add3A_123, %slice3A_124 : vector<4096x128xf32>
    %get3A_126 = arith.constant 0 : index
    %get3A_127 = arith.constant 1152 : index
    %get3A_128 = vector.load %arg4[%get3A_126, %get3A_127] : memref<1x8192xf32, #tpu.memory_space<vmem>>, vector<1x128xf32>
    %add3A_129 = vector.broadcast %get3A_4 : vector<4096x1xf32> to vector<4096x128xf32>
    %add3A_130 = vector.broadcast %get3A_128 : vector<1x128xf32> to vector<4096x128xf32>
    %add3A_131 = arith.addf %add3A_129, %add3A_130 : vector<4096x128xf32>
    %slice3A_132 = vector.extract_strided_slice %dot_general3A_117 {offsets = [0, 128], sizes = [4096, 128], strides = [1, 1]} : vector<4096x1024xf32> to vector<4096x128xf32>
    %sub3A_133 = arith.subf %add3A_131, %slice3A_132 : vector<4096x128xf32>
    %get3A_134 = arith.constant 0 : index
    %get3A_135 = arith.constant 1280 : index
    %get3A_136 = vector.load %arg4[%get3A_134, %get3A_135] : memref<1x8192xf32, #tpu.memory_space<vmem>>, vector<1x128xf32>
    %add3A_137 = vector.broadcast %get3A_4 : vector<4096x1xf32> to vector<4096x128xf32>
    %add3A_138 = vector.broadcast %get3A_136 : vector<1x128xf32> to vector<4096x128xf32>
    %add3A_139 = arith.addf %add3A_137, %add3A_138 : vector<4096x128xf32>
    %slice3A_140 = vector.extract_strided_slice %dot_general3A_117 {offsets = [0, 256], sizes = [4096, 128], strides = [1, 1]} : vector<4096x1024xf32> to vector<4096x128xf32>
    %sub3A_141 = arith.subf %add3A_139, %slice3A_140 : vector<4096x128xf32>
    %get3A_142 = arith.constant 0 : index
    %get3A_143 = arith.constant 1408 : index
    %get3A_144 = vector.load %arg4[%get3A_142, %get3A_143] : memref<1x8192xf32, #tpu.memory_space<vmem>>, vector<1x128xf32>
    %add3A_145 = vector.broadcast %get3A_4 : vector<4096x1xf32> to vector<4096x128xf32>
    %add3A_146 = vector.broadcast %get3A_144 : vector<1x128xf32> to vector<4096x128xf32>
    %add3A_147 = arith.addf %add3A_145, %add3A_146 : vector<4096x128xf32>
    %slice3A_148 = vector.extract_strided_slice %dot_general3A_117 {offsets = [0, 384], sizes = [4096, 128], strides = [1, 1]} : vector<4096x1024xf32> to vector<4096x128xf32>
    %sub3A_149 = arith.subf %add3A_147, %slice3A_148 : vector<4096x128xf32>
    %min3A_150 = arith.minimumf %sub3A_125, %sub3A_133 : vector<4096x128xf32>
    %lt3A_151 = arith.cmpf olt, %sub3A_133, %sub3A_125 : vector<4096x128xf32>
    %jit3A_152 = arith.constant 9.000000e+00 : f32
    %jit3A_153 = arith.constant 8.000000e+00 : f32
    %broadcast_in_dim3A_154 = vector.broadcast %jit3A_152 : f32 to vector<4096x128xf32>
    %broadcast_in_dim3A_155 = vector.broadcast %jit3A_153 : f32 to vector<4096x128xf32>
    %select_n3A_156 = arith.select %lt3A_151, %broadcast_in_dim3A_154, %broadcast_in_dim3A_155 : vector<4096x128xi1>, vector<4096x128xf32>
    %min3A_157 = arith.minimumf %sub3A_141, %sub3A_149 : vector<4096x128xf32>
    %lt3A_158 = arith.cmpf olt, %sub3A_149, %sub3A_141 : vector<4096x128xf32>
    %jit3A_159 = arith.constant 1.100000e+01 : f32
    %jit3A_160 = arith.constant 1.000000e+01 : f32
    %broadcast_in_dim3A_161 = vector.broadcast %jit3A_159 : f32 to vector<4096x128xf32>
    %broadcast_in_dim3A_162 = vector.broadcast %jit3A_160 : f32 to vector<4096x128xf32>
    %select_n3A_163 = arith.select %lt3A_158, %broadcast_in_dim3A_161, %broadcast_in_dim3A_162 : vector<4096x128xi1>, vector<4096x128xf32>
    %min3A_164 = arith.minimumf %min3A_150, %min3A_157 : vector<4096x128xf32>
    %lt3A_165 = arith.cmpf olt, %min3A_157, %min3A_150 : vector<4096x128xf32>
    %select_n3A_166 = arith.select %lt3A_165, %select_n3A_163, %select_n3A_156 : vector<4096x128xi1>, vector<4096x128xf32>
    %lt3A_167 = arith.cmpf olt, %min3A_164, %select_n3A_111 : vector<4096x128xf32>
    %select_n3A_168 = arith.select %lt3A_167, %min3A_164, %select_n3A_111 : vector<4096x128xi1>, vector<4096x128xf32>
    %select_n3A_169 = arith.select %lt3A_167, %select_n3A_166, %select_n3A_112 : vector<4096x128xi1>, vector<4096x128xf32>
    %get3A_170 = arith.constant 0 : index
    %get3A_171 = arith.constant 1536 : index
    %get3A_172 = vector.load %arg4[%get3A_170, %get3A_171] : memref<1x8192xf32, #tpu.memory_space<vmem>>, vector<1x128xf32>
    %add3A_173 = vector.broadcast %get3A_4 : vector<4096x1xf32> to vector<4096x128xf32>
    %add3A_174 = vector.broadcast %get3A_172 : vector<1x128xf32> to vector<4096x128xf32>
    %add3A_175 = arith.addf %add3A_173, %add3A_174 : vector<4096x128xf32>
    %slice3A_176 = vector.extract_strided_slice %dot_general3A_117 {offsets = [0, 512], sizes = [4096, 128], strides = [1, 1]} : vector<4096x1024xf32> to vector<4096x128xf32>
    %sub3A_177 = arith.subf %add3A_175, %slice3A_176 : vector<4096x128xf32>
    %get3A_178 = arith.constant 0 : index
    %get3A_179 = arith.constant 1664 : index
    %get3A_180 = vector.load %arg4[%get3A_178, %get3A_179] : memref<1x8192xf32, #tpu.memory_space<vmem>>, vector<1x128xf32>
    %add3A_181 = vector.broadcast %get3A_4 : vector<4096x1xf32> to vector<4096x128xf32>
    %add3A_182 = vector.broadcast %get3A_180 : vector<1x128xf32> to vector<4096x128xf32>
    %add3A_183 = arith.addf %add3A_181, %add3A_182 : vector<4096x128xf32>
    %slice3A_184 = vector.extract_strided_slice %dot_general3A_117 {offsets = [0, 640], sizes = [4096, 128], strides = [1, 1]} : vector<4096x1024xf32> to vector<4096x128xf32>
    %sub3A_185 = arith.subf %add3A_183, %slice3A_184 : vector<4096x128xf32>
    %get3A_186 = arith.constant 0 : index
    %get3A_187 = arith.constant 1792 : index
    %get3A_188 = vector.load %arg4[%get3A_186, %get3A_187] : memref<1x8192xf32, #tpu.memory_space<vmem>>, vector<1x128xf32>
    %add3A_189 = vector.broadcast %get3A_4 : vector<4096x1xf32> to vector<4096x128xf32>
    %add3A_190 = vector.broadcast %get3A_188 : vector<1x128xf32> to vector<4096x128xf32>
    %add3A_191 = arith.addf %add3A_189, %add3A_190 : vector<4096x128xf32>
    %slice3A_192 = vector.extract_strided_slice %dot_general3A_117 {offsets = [0, 768], sizes = [4096, 128], strides = [1, 1]} : vector<4096x1024xf32> to vector<4096x128xf32>
    %sub3A_193 = arith.subf %add3A_191, %slice3A_192 : vector<4096x128xf32>
    %get3A_194 = arith.constant 0 : index
    %get3A_195 = arith.constant 1920 : index
    %get3A_196 = vector.load %arg4[%get3A_194, %get3A_195] : memref<1x8192xf32, #tpu.memory_space<vmem>>, vector<1x128xf32>
    %add3A_197 = vector.broadcast %get3A_4 : vector<4096x1xf32> to vector<4096x128xf32>
    %add3A_198 = vector.broadcast %get3A_196 : vector<1x128xf32> to vector<4096x128xf32>
    %add3A_199 = arith.addf %add3A_197, %add3A_198 : vector<4096x128xf32>
    %slice3A_200 = vector.extract_strided_slice %dot_general3A_117 {offsets = [0, 896], sizes = [4096, 128], strides = [1, 1]} : vector<4096x1024xf32> to vector<4096x128xf32>
    %sub3A_201 = arith.subf %add3A_199, %slice3A_200 : vector<4096x128xf32>
    %min3A_202 = arith.minimumf %sub3A_177, %sub3A_185 : vector<4096x128xf32>
    %lt3A_203 = arith.cmpf olt, %sub3A_185, %sub3A_177 : vector<4096x128xf32>
    %jit3A_204 = arith.constant 1.300000e+01 : f32
    %jit3A_205 = arith.constant 1.200000e+01 : f32
    %broadcast_in_dim3A_206 = vector.broadcast %jit3A_204 : f32 to vector<4096x128xf32>
    %broadcast_in_dim3A_207 = vector.broadcast %jit3A_205 : f32 to vector<4096x128xf32>
    %select_n3A_208 = arith.select %lt3A_203, %broadcast_in_dim3A_206, %broadcast_in_dim3A_207 : vector<4096x128xi1>, vector<4096x128xf32>
    %min3A_209 = arith.minimumf %sub3A_193, %sub3A_201 : vector<4096x128xf32>
    %lt3A_210 = arith.cmpf olt, %sub3A_201, %sub3A_193 : vector<4096x128xf32>
    %jit3A_211 = arith.constant 1.500000e+01 : f32
    %jit3A_212 = arith.constant 1.400000e+01 : f32
    %broadcast_in_dim3A_213 = vector.broadcast %jit3A_211 : f32 to vector<4096x128xf32>
    %broadcast_in_dim3A_214 = vector.broadcast %jit3A_212 : f32 to vector<4096x128xf32>
    %select_n3A_215 = arith.select %lt3A_210, %broadcast_in_dim3A_213, %broadcast_in_dim3A_214 : vector<4096x128xi1>, vector<4096x128xf32>
    %min3A_216 = arith.minimumf %min3A_202, %min3A_209 : vector<4096x128xf32>
    %lt3A_217 = arith.cmpf olt, %min3A_209, %min3A_202 : vector<4096x128xf32>
    %select_n3A_218 = arith.select %lt3A_217, %select_n3A_215, %select_n3A_208 : vector<4096x128xi1>, vector<4096x128xf32>
    %lt3A_219 = arith.cmpf olt, %min3A_216, %select_n3A_168 : vector<4096x128xf32>
    %select_n3A_220 = arith.select %lt3A_219, %min3A_216, %select_n3A_168 : vector<4096x128xi1>, vector<4096x128xf32>
    %select_n3A_221 = arith.select %lt3A_219, %select_n3A_218, %select_n3A_169 : vector<4096x128xi1>, vector<4096x128xf32>
    %get3A_222 = arith.constant 2048 : index
    %get3A_223 = arith.constant 0 : index
    %get3A_224 = vector.load %arg2[%get3A_222, %get3A_223] : memref<8192x256xbf16, #tpu.memory_space<vmem>>, vector<1024x256xbf16>
    %dot_general3A_225 = arith.constant dense<0.000000e+00> : vector<4096x1024xf32>
    %dot_general3A_226 = tpu.matmul %get3A_1, %get3A_224, %dot_general3A_225 {dimension_numbers = #tpu.dot_dimension_numbers<[1], [1], [0], [0], [0, 0, 1, 0], [], []>, transpose_lhs_hint = false} : vector<4096x256xbf16>, vector<1024x256xbf16>, vector<4096x1024xf32> -> vector<4096x1024xf32>
    %get3A_227 = arith.constant 0 : index
    %get3A_228 = arith.constant 2048 : index
    %get3A_229 = vector.load %arg4[%get3A_227, %get3A_228] : memref<1x8192xf32, #tpu.memory_space<vmem>>, vector<1x128xf32>
    %add3A_230 = vector.broadcast %get3A_4 : vector<4096x1xf32> to vector<4096x128xf32>
    %add3A_231 = vector.broadcast %get3A_229 : vector<1x128xf32> to vector<4096x128xf32>
    %add3A_232 = arith.addf %add3A_230, %add3A_231 : vector<4096x128xf32>
    %slice3A_233 = vector.extract_strided_slice %dot_general3A_226 {offsets = [0, 0], sizes = [4096, 128], strides = [1, 1]} : vector<4096x1024xf32> to vector<4096x128xf32>
    %sub3A_234 = arith.subf %add3A_232, %slice3A_233 : vector<4096x128xf32>
    %get3A_235 = arith.constant 0 : index
    %get3A_236 = arith.constant 2176 : index
    %get3A_237 = vector.load %arg4[%get3A_235, %get3A_236] : memref<1x8192xf32, #tpu.memory_space<vmem>>, vector<1x128xf32>
    %add3A_238 = vector.broadcast %get3A_4 : vector<4096x1xf32> to vector<4096x128xf32>
    %add3A_239 = vector.broadcast %get3A_237 : vector<1x128xf32> to vector<4096x128xf32>
    %add3A_240 = arith.addf %add3A_238, %add3A_239 : vector<4096x128xf32>
    %slice3A_241 = vector.extract_strided_slice %dot_general3A_226 {offsets = [0, 128], sizes = [4096, 128], strides = [1, 1]} : vector<4096x1024xf32> to vector<4096x128xf32>
    %sub3A_242 = arith.subf %add3A_240, %slice3A_241 : vector<4096x128xf32>
    %get3A_243 = arith.constant 0 : index
    %get3A_244 = arith.constant 2304 : index
    %get3A_245 = vector.load %arg4[%get3A_243, %get3A_244] : memref<1x8192xf32, #tpu.memory_space<vmem>>, vector<1x128xf32>
    %add3A_246 = vector.broadcast %get3A_4 : vector<4096x1xf32> to vector<4096x128xf32>
    %add3A_247 = vector.broadcast %get3A_245 : vector<1x128xf32> to vector<4096x128xf32>
    %add3A_248 = arith.addf %add3A_246, %add3A_247 : vector<4096x128xf32>
    %slice3A_249 = vector.extract_strided_slice %dot_general3A_226 {offsets = [0, 256], sizes = [4096, 128], strides = [1, 1]} : vector<4096x1024xf32> to vector<4096x128xf32>
    %sub3A_250 = arith.subf %add3A_248, %slice3A_249 : vector<4096x128xf32>
    %get3A_251 = arith.constant 0 : index
    %get3A_252 = arith.constant 2432 : index
    %get3A_253 = vector.load %arg4[%get3A_251, %get3A_252] : memref<1x8192xf32, #tpu.memory_space<vmem>>, vector<1x128xf32>
    %add3A_254 = vector.broadcast %get3A_4 : vector<4096x1xf32> to vector<4096x128xf32>
    %add3A_255 = vector.broadcast %get3A_253 : vector<1x128xf32> to vector<4096x128xf32>
    %add3A_256 = arith.addf %add3A_254, %add3A_255 : vector<4096x128xf32>
    %slice3A_257 = vector.extract_strided_slice %dot_general3A_226 {offsets = [0, 384], sizes = [4096, 128], strides = [1, 1]} : vector<4096x1024xf32> to vector<4096x128xf32>
    %sub3A_258 = arith.subf %add3A_256, %slice3A_257 : vector<4096x128xf32>
    %min3A_259 = arith.minimumf %sub3A_234, %sub3A_242 : vector<4096x128xf32>
    %lt3A_260 = arith.cmpf olt, %sub3A_242, %sub3A_234 : vector<4096x128xf32>
    %jit3A_261 = arith.constant 1.700000e+01 : f32
    %jit3A_262 = arith.constant 1.600000e+01 : f32
    %broadcast_in_dim3A_263 = vector.broadcast %jit3A_261 : f32 to vector<4096x128xf32>
    %broadcast_in_dim3A_264 = vector.broadcast %jit3A_262 : f32 to vector<4096x128xf32>
    %select_n3A_265 = arith.select %lt3A_260, %broadcast_in_dim3A_263, %broadcast_in_dim3A_264 : vector<4096x128xi1>, vector<4096x128xf32>
    %min3A_266 = arith.minimumf %sub3A_250, %sub3A_258 : vector<4096x128xf32>
    %lt3A_267 = arith.cmpf olt, %sub3A_258, %sub3A_250 : vector<4096x128xf32>
    %jit3A_268 = arith.constant 1.900000e+01 : f32
    %jit3A_269 = arith.constant 1.800000e+01 : f32
    %broadcast_in_dim3A_270 = vector.broadcast %jit3A_268 : f32 to vector<4096x128xf32>
    %broadcast_in_dim3A_271 = vector.broadcast %jit3A_269 : f32 to vector<4096x128xf32>
    %select_n3A_272 = arith.select %lt3A_267, %broadcast_in_dim3A_270, %broadcast_in_dim3A_271 : vector<4096x128xi1>, vector<4096x128xf32>
    %min3A_273 = arith.minimumf %min3A_259, %min3A_266 : vector<4096x128xf32>
    %lt3A_274 = arith.cmpf olt, %min3A_266, %min3A_259 : vector<4096x128xf32>
    %select_n3A_275 = arith.select %lt3A_274, %select_n3A_272, %select_n3A_265 : vector<4096x128xi1>, vector<4096x128xf32>
    %lt3A_276 = arith.cmpf olt, %min3A_273, %select_n3A_220 : vector<4096x128xf32>
    %select_n3A_277 = arith.select %lt3A_276, %min3A_273, %select_n3A_220 : vector<4096x128xi1>, vector<4096x128xf32>
    %select_n3A_278 = arith.select %lt3A_276, %select_n3A_275, %select_n3A_221 : vector<4096x128xi1>, vector<4096x128xf32>
    %get3A_279 = arith.constant 0 : index
    %get3A_280 = arith.constant 2560 : index
    %get3A_281 = vector.load %arg4[%get3A_279, %get3A_280] : memref<1x8192xf32, #tpu.memory_space<vmem>>, vector<1x128xf32>
    %add3A_282 = vector.broadcast %get3A_4 : vector<4096x1xf32> to vector<4096x128xf32>
    %add3A_283 = vector.broadcast %get3A_281 : vector<1x128xf32> to vector<4096x128xf32>
    %add3A_284 = arith.addf %add3A_282, %add3A_283 : vector<4096x128xf32>
    %slice3A_285 = vector.extract_strided_slice %dot_general3A_226 {offsets = [0, 512], sizes = [4096, 128], strides = [1, 1]} : vector<4096x1024xf32> to vector<4096x128xf32>
    %sub3A_286 = arith.subf %add3A_284, %slice3A_285 : vector<4096x128xf32>
    %get3A_287 = arith.constant 0 : index
    %get3A_288 = arith.constant 2688 : index
    %get3A_289 = vector.load %arg4[%get3A_287, %get3A_288] : memref<1x8192xf32, #tpu.memory_space<vmem>>, vector<1x128xf32>
    %add3A_290 = vector.broadcast %get3A_4 : vector<4096x1xf32> to vector<4096x128xf32>
    %add3A_291 = vector.broadcast %get3A_289 : vector<1x128xf32> to vector<4096x128xf32>
    %add3A_292 = arith.addf %add3A_290, %add3A_291 : vector<4096x128xf32>
    %slice3A_293 = vector.extract_strided_slice %dot_general3A_226 {offsets = [0, 640], sizes = [4096, 128], strides = [1, 1]} : vector<4096x1024xf32> to vector<4096x128xf32>
    %sub3A_294 = arith.subf %add3A_292, %slice3A_293 : vector<4096x128xf32>
    %min3A_295 = arith.minimumf %sub3A_286, %sub3A_294 : vector<4096x128xf32>
    %lt3A_296 = arith.cmpf olt, %sub3A_294, %sub3A_286 : vector<4096x128xf32>
    %jit3A_297 = arith.constant 2.100000e+01 : f32
    %jit3A_298 = arith.constant 2.000000e+01 : f32
    %broadcast_in_dim3A_299 = vector.broadcast %jit3A_297 : f32 to vector<4096x128xf32>
    %broadcast_in_dim3A_300 = vector.broadcast %jit3A_298 : f32 to vector<4096x128xf32>
    %select_n3A_301 = arith.select %lt3A_296, %broadcast_in_dim3A_299, %broadcast_in_dim3A_300 : vector<4096x128xi1>, vector<4096x128xf32>
    %lt3A_302 = arith.cmpf olt, %min3A_295, %select_n3A_277 : vector<4096x128xf32>
    %select_n3A_303 = arith.select %lt3A_302, %min3A_295, %select_n3A_277 : vector<4096x128xi1>, vector<4096x128xf32>
    %select_n3A_304 = arith.select %lt3A_302, %select_n3A_301, %select_n3A_278 : vector<4096x128xi1>, vector<4096x128xf32>
    %reduce_min3A = arith.constant dense<0x7F800000> : vector<4096xf32>
    %reduce_min3A_305 = vector.multi_reduction <minimumf>, %select_n3A_303, %reduce_min3A [1] : vector<4096x128xf32> to vector<4096xf32>
    %broadcast_in_dim3A_306 = vector.shape_cast %reduce_min3A_305 : vector<4096xf32> to vector<4096x1xf32>
    %mul3A = arith.constant 1.280000e+02 : f32
    %mul3A_307 = vector.broadcast %mul3A : f32 to vector<4096x128xf32>
    %mul3A_308 = arith.mulf %select_n3A_304, %mul3A_307 : vector<4096x128xf32>
    %add3A_309 = arith.addf %mul3A_308, %convert_element_type3A : vector<4096x128xf32>
    %eq3A = vector.broadcast %broadcast_in_dim3A_306 : vector<4096x1xf32> to vector<4096x128xf32>
    %eq3A_310 = arith.cmpf oeq, %select_n3A_303, %eq3A : vector<4096x128xf32>
    %jit3A_311 = arith.constant 1.000000e+09 : f32
    %broadcast_in_dim3A_312 = vector.broadcast %jit3A_311 : f32 to vector<4096x128xf32>
    %select_n3A_313 = arith.select %eq3A_310, %add3A_309, %broadcast_in_dim3A_312 : vector<4096x128xi1>, vector<4096x128xf32>
    %reduce_min3A_314 = arith.constant dense<0x7F800000> : vector<4096xf32>
    %reduce_min3A_315 = vector.multi_reduction <minimumf>, %select_n3A_313, %reduce_min3A_314 [1] : vector<4096x128xf32> to vector<4096xf32>
    %broadcast_in_dim3A_316 = vector.shape_cast %reduce_min3A_315 : vector<4096xf32> to vector<4096x1xf32>
    %lt3A_317 = arith.cmpf olt, %broadcast_in_dim3A_306, %broadcast_in_dim3A_5 : vector<4096x1xf32>
    %select_n3A_318 = arith.select %lt3A_317, %broadcast_in_dim3A_316, %broadcast_in_dim3A_11 : vector<4096x1xi1>, vector<4096x1xf32>
    %select_n3A_319 = arith.select %lt3A_317, %broadcast_in_dim3A_306, %broadcast_in_dim3A_5 : vector<4096x1xi1>, vector<4096x1xf32>
    %convert_element_type3A_320 = arith.truncf %select_n3A_319 : vector<4096x1xf32> to vector<4096x1xbf16>
    %convert_element_type3A_321 = arith.extf %convert_element_type3A_320 : vector<4096x1xbf16> to vector<4096x1xf32>
    %get3A_322 = arith.constant 0 : index
    %get3A_323 = arith.constant 2816 : index
    %get3A_324 = vector.load %arg4[%get3A_322, %get3A_323] : memref<1x8192xf32, #tpu.memory_space<vmem>>, vector<1x128xf32>
    %add3A_325 = vector.broadcast %get3A_4 : vector<4096x1xf32> to vector<4096x128xf32>
    %add3A_326 = vector.broadcast %get3A_324 : vector<1x128xf32> to vector<4096x128xf32>
    %add3A_327 = arith.addf %add3A_325, %add3A_326 : vector<4096x128xf32>
    %slice3A_328 = vector.extract_strided_slice %dot_general3A_226 {offsets = [0, 768], sizes = [4096, 128], strides = [1, 1]} : vector<4096x1024xf32> to vector<4096x128xf32>
    %sub3A_329 = arith.subf %add3A_327, %slice3A_328 : vector<4096x128xf32>
    %get3A_330 = arith.constant 0 : index
    %get3A_331 = arith.constant 2944 : index
    %get3A_332 = vector.load %arg4[%get3A_330, %get3A_331] : memref<1x8192xf32, #tpu.memory_space<vmem>>, vector<1x128xf32>
    %add3A_333 = vector.broadcast %get3A_4 : vector<4096x1xf32> to vector<4096x128xf32>
    %add3A_334 = vector.broadcast %get3A_332 : vector<1x128xf32> to vector<4096x128xf32>
    %add3A_335 = arith.addf %add3A_333, %add3A_334 : vector<4096x128xf32>
    %slice3A_336 = vector.extract_strided_slice %dot_general3A_226 {offsets = [0, 896], sizes = [4096, 128], strides = [1, 1]} : vector<4096x1024xf32> to vector<4096x128xf32>
    %sub3A_337 = arith.subf %add3A_335, %slice3A_336 : vector<4096x128xf32>
    %min3A_338 = arith.minimumf %sub3A_329, %sub3A_337 : vector<4096x128xf32>
    %lt3A_339 = arith.cmpf olt, %sub3A_337, %sub3A_329 : vector<4096x128xf32>
    %jit3A_340 = arith.constant 2.300000e+01 : f32
    %jit3A_341 = arith.constant 2.200000e+01 : f32
    %broadcast_in_dim3A_342 = vector.broadcast %jit3A_340 : f32 to vector<4096x128xf32>
    %broadcast_in_dim3A_343 = vector.broadcast %jit3A_341 : f32 to vector<4096x128xf32>
    %select_n3A_344 = arith.select %lt3A_339, %broadcast_in_dim3A_342, %broadcast_in_dim3A_343 : vector<4096x128xi1>, vector<4096x128xf32>
    %lt3A_345 = arith.cmpf olt, %min3A_338, %broadcast_in_dim3A_7 : vector<4096x128xf32>
    %select_n3A_346 = arith.select %lt3A_345, %min3A_338, %broadcast_in_dim3A_7 : vector<4096x128xi1>, vector<4096x128xf32>
    %select_n3A_347 = arith.select %lt3A_345, %select_n3A_344, %broadcast_in_dim3A_9 : vector<4096x128xi1>, vector<4096x128xf32>
    %get3A_348 = arith.constant 3072 : index
    %get3A_349 = arith.constant 0 : index
    %get3A_350 = vector.load %arg2[%get3A_348, %get3A_349] : memref<8192x256xbf16, #tpu.memory_space<vmem>>, vector<1024x256xbf16>
    %dot_general3A_351 = arith.constant dense<0.000000e+00> : vector<4096x1024xf32>
    %dot_general3A_352 = tpu.matmul %get3A_1, %get3A_350, %dot_general3A_351 {dimension_numbers = #tpu.dot_dimension_numbers<[1], [1], [0], [0], [0, 0, 1, 0], [], []>, transpose_lhs_hint = false} : vector<4096x256xbf16>, vector<1024x256xbf16>, vector<4096x1024xf32> -> vector<4096x1024xf32>
    %get3A_353 = arith.constant 0 : index
    %get3A_354 = arith.constant 3072 : index
    %get3A_355 = vector.load %arg4[%get3A_353, %get3A_354] : memref<1x8192xf32, #tpu.memory_space<vmem>>, vector<1x128xf32>
    %add3A_356 = vector.broadcast %get3A_4 : vector<4096x1xf32> to vector<4096x128xf32>
    %add3A_357 = vector.broadcast %get3A_355 : vector<1x128xf32> to vector<4096x128xf32>
    %add3A_358 = arith.addf %add3A_356, %add3A_357 : vector<4096x128xf32>
    %slice3A_359 = vector.extract_strided_slice %dot_general3A_352 {offsets = [0, 0], sizes = [4096, 128], strides = [1, 1]} : vector<4096x1024xf32> to vector<4096x128xf32>
    %sub3A_360 = arith.subf %add3A_358, %slice3A_359 : vector<4096x128xf32>
    %get3A_361 = arith.constant 0 : index
    %get3A_362 = arith.constant 3200 : index
    %get3A_363 = vector.load %arg4[%get3A_361, %get3A_362] : memref<1x8192xf32, #tpu.memory_space<vmem>>, vector<1x128xf32>
    %add3A_364 = vector.broadcast %get3A_4 : vector<4096x1xf32> to vector<4096x128xf32>
    %add3A_365 = vector.broadcast %get3A_363 : vector<1x128xf32> to vector<4096x128xf32>
    %add3A_366 = arith.addf %add3A_364, %add3A_365 : vector<4096x128xf32>
    %slice3A_367 = vector.extract_strided_slice %dot_general3A_352 {offsets = [0, 128], sizes = [4096, 128], strides = [1, 1]} : vector<4096x1024xf32> to vector<4096x128xf32>
    %sub3A_368 = arith.subf %add3A_366, %slice3A_367 : vector<4096x128xf32>
    %get3A_369 = arith.constant 0 : index
    %get3A_370 = arith.constant 3328 : index
    %get3A_371 = vector.load %arg4[%get3A_369, %get3A_370] : memref<1x8192xf32, #tpu.memory_space<vmem>>, vector<1x128xf32>
    %add3A_372 = vector.broadcast %get3A_4 : vector<4096x1xf32> to vector<4096x128xf32>
    %add3A_373 = vector.broadcast %get3A_371 : vector<1x128xf32> to vector<4096x128xf32>
    %add3A_374 = arith.addf %add3A_372, %add3A_373 : vector<4096x128xf32>
    %slice3A_375 = vector.extract_strided_slice %dot_general3A_352 {offsets = [0, 256], sizes = [4096, 128], strides = [1, 1]} : vector<4096x1024xf32> to vector<4096x128xf32>
    %sub3A_376 = arith.subf %add3A_374, %slice3A_375 : vector<4096x128xf32>
    %get3A_377 = arith.constant 0 : index
    %get3A_378 = arith.constant 3456 : index
    %get3A_379 = vector.load %arg4[%get3A_377, %get3A_378] : memref<1x8192xf32, #tpu.memory_space<vmem>>, vector<1x128xf32>
    %add3A_380 = vector.broadcast %get3A_4 : vector<4096x1xf32> to vector<4096x128xf32>
    %add3A_381 = vector.broadcast %get3A_379 : vector<1x128xf32> to vector<4096x128xf32>
    %add3A_382 = arith.addf %add3A_380, %add3A_381 : vector<4096x128xf32>
    %slice3A_383 = vector.extract_strided_slice %dot_general3A_352 {offsets = [0, 384], sizes = [4096, 128], strides = [1, 1]} : vector<4096x1024xf32> to vector<4096x128xf32>
    %sub3A_384 = arith.subf %add3A_382, %slice3A_383 : vector<4096x128xf32>
    %min3A_385 = arith.minimumf %sub3A_360, %sub3A_368 : vector<4096x128xf32>
    %lt3A_386 = arith.cmpf olt, %sub3A_368, %sub3A_360 : vector<4096x128xf32>
    %jit3A_387 = arith.constant 2.500000e+01 : f32
    %jit3A_388 = arith.constant 2.400000e+01 : f32
    %broadcast_in_dim3A_389 = vector.broadcast %jit3A_387 : f32 to vector<4096x128xf32>
    %broadcast_in_dim3A_390 = vector.broadcast %jit3A_388 : f32 to vector<4096x128xf32>
    %select_n3A_391 = arith.select %lt3A_386, %broadcast_in_dim3A_389, %broadcast_in_dim3A_390 : vector<4096x128xi1>, vector<4096x128xf32>
    %min3A_392 = arith.minimumf %sub3A_376, %sub3A_384 : vector<4096x128xf32>
    %lt3A_393 = arith.cmpf olt, %sub3A_384, %sub3A_376 : vector<4096x128xf32>
    %jit3A_394 = arith.constant 2.700000e+01 : f32
    %jit3A_395 = arith.constant 2.600000e+01 : f32
    %broadcast_in_dim3A_396 = vector.broadcast %jit3A_394 : f32 to vector<4096x128xf32>
    %broadcast_in_dim3A_397 = vector.broadcast %jit3A_395 : f32 to vector<4096x128xf32>
    %select_n3A_398 = arith.select %lt3A_393, %broadcast_in_dim3A_396, %broadcast_in_dim3A_397 : vector<4096x128xi1>, vector<4096x128xf32>
    %min3A_399 = arith.minimumf %min3A_385, %min3A_392 : vector<4096x128xf32>
    %lt3A_400 = arith.cmpf olt, %min3A_392, %min3A_385 : vector<4096x128xf32>
    %select_n3A_401 = arith.select %lt3A_400, %select_n3A_398, %select_n3A_391 : vector<4096x128xi1>, vector<4096x128xf32>
    %lt3A_402 = arith.cmpf olt, %min3A_399, %select_n3A_346 : vector<4096x128xf32>
    %select_n3A_403 = arith.select %lt3A_402, %min3A_399, %select_n3A_346 : vector<4096x128xi1>, vector<4096x128xf32>
    %select_n3A_404 = arith.select %lt3A_402, %select_n3A_401, %select_n3A_347 : vector<4096x128xi1>, vector<4096x128xf32>
    %get3A_405 = arith.constant 0 : index
    %get3A_406 = arith.constant 3584 : index
    %get3A_407 = vector.load %arg4[%get3A_405, %get3A_406] : memref<1x8192xf32, #tpu.memory_space<vmem>>, vector<1x128xf32>
    %add3A_408 = vector.broadcast %get3A_4 : vector<4096x1xf32> to vector<4096x128xf32>
    %add3A_409 = vector.broadcast %get3A_407 : vector<1x128xf32> to vector<4096x128xf32>
    %add3A_410 = arith.addf %add3A_408, %add3A_409 : vector<4096x128xf32>
    %slice3A_411 = vector.extract_strided_slice %dot_general3A_352 {offsets = [0, 512], sizes = [4096, 128], strides = [1, 1]} : vector<4096x1024xf32> to vector<4096x128xf32>
    %sub3A_412 = arith.subf %add3A_410, %slice3A_411 : vector<4096x128xf32>
    %get3A_413 = arith.constant 0 : index
    %get3A_414 = arith.constant 3712 : index
    %get3A_415 = vector.load %arg4[%get3A_413, %get3A_414] : memref<1x8192xf32, #tpu.memory_space<vmem>>, vector<1x128xf32>
    %add3A_416 = vector.broadcast %get3A_4 : vector<4096x1xf32> to vector<4096x128xf32>
    %add3A_417 = vector.broadcast %get3A_415 : vector<1x128xf32> to vector<4096x128xf32>
    %add3A_418 = arith.addf %add3A_416, %add3A_417 : vector<4096x128xf32>
    %slice3A_419 = vector.extract_strided_slice %dot_general3A_352 {offsets = [0, 640], sizes = [4096, 128], strides = [1, 1]} : vector<4096x1024xf32> to vector<4096x128xf32>
    %sub3A_420 = arith.subf %add3A_418, %slice3A_419 : vector<4096x128xf32>
    %get3A_421 = arith.constant 0 : index
    %get3A_422 = arith.constant 3840 : index
    %get3A_423 = vector.load %arg4[%get3A_421, %get3A_422] : memref<1x8192xf32, #tpu.memory_space<vmem>>, vector<1x128xf32>
    %add3A_424 = vector.broadcast %get3A_4 : vector<4096x1xf32> to vector<4096x128xf32>
    %add3A_425 = vector.broadcast %get3A_423 : vector<1x128xf32> to vector<4096x128xf32>
    %add3A_426 = arith.addf %add3A_424, %add3A_425 : vector<4096x128xf32>
    %slice3A_427 = vector.extract_strided_slice %dot_general3A_352 {offsets = [0, 768], sizes = [4096, 128], strides = [1, 1]} : vector<4096x1024xf32> to vector<4096x128xf32>
    %sub3A_428 = arith.subf %add3A_426, %slice3A_427 : vector<4096x128xf32>
    %get3A_429 = arith.constant 0 : index
    %get3A_430 = arith.constant 3968 : index
    %get3A_431 = vector.load %arg4[%get3A_429, %get3A_430] : memref<1x8192xf32, #tpu.memory_space<vmem>>, vector<1x128xf32>
    %add3A_432 = vector.broadcast %get3A_4 : vector<4096x1xf32> to vector<4096x128xf32>
    %add3A_433 = vector.broadcast %get3A_431 : vector<1x128xf32> to vector<4096x128xf32>
    %add3A_434 = arith.addf %add3A_432, %add3A_433 : vector<4096x128xf32>
    %slice3A_435 = vector.extract_strided_slice %dot_general3A_352 {offsets = [0, 896], sizes = [4096, 128], strides = [1, 1]} : vector<4096x1024xf32> to vector<4096x128xf32>
    %sub3A_436 = arith.subf %add3A_434, %slice3A_435 : vector<4096x128xf32>
    %min3A_437 = arith.minimumf %sub3A_412, %sub3A_420 : vector<4096x128xf32>
    %lt3A_438 = arith.cmpf olt, %sub3A_420, %sub3A_412 : vector<4096x128xf32>
    %jit3A_439 = arith.constant 2.900000e+01 : f32
    %jit3A_440 = arith.constant 2.800000e+01 : f32
    %broadcast_in_dim3A_441 = vector.broadcast %jit3A_439 : f32 to vector<4096x128xf32>
    %broadcast_in_dim3A_442 = vector.broadcast %jit3A_440 : f32 to vector<4096x128xf32>
    %select_n3A_443 = arith.select %lt3A_438, %broadcast_in_dim3A_441, %broadcast_in_dim3A_442 : vector<4096x128xi1>, vector<4096x128xf32>
    %min3A_444 = arith.minimumf %sub3A_428, %sub3A_436 : vector<4096x128xf32>
    %lt3A_445 = arith.cmpf olt, %sub3A_436, %sub3A_428 : vector<4096x128xf32>
    %jit3A_446 = arith.constant 3.100000e+01 : f32
    %jit3A_447 = arith.constant 3.000000e+01 : f32
    %broadcast_in_dim3A_448 = vector.broadcast %jit3A_446 : f32 to vector<4096x128xf32>
    %broadcast_in_dim3A_449 = vector.broadcast %jit3A_447 : f32 to vector<4096x128xf32>
    %select_n3A_450 = arith.select %lt3A_445, %broadcast_in_dim3A_448, %broadcast_in_dim3A_449 : vector<4096x128xi1>, vector<4096x128xf32>
    %min3A_451 = arith.minimumf %min3A_437, %min3A_444 : vector<4096x128xf32>
    %lt3A_452 = arith.cmpf olt, %min3A_444, %min3A_437 : vector<4096x128xf32>
    %select_n3A_453 = arith.select %lt3A_452, %select_n3A_450, %select_n3A_443 : vector<4096x128xi1>, vector<4096x128xf32>
    %lt3A_454 = arith.cmpf olt, %min3A_451, %select_n3A_403 : vector<4096x128xf32>
    %select_n3A_455 = arith.select %lt3A_454, %min3A_451, %select_n3A_403 : vector<4096x128xi1>, vector<4096x128xf32>
    %select_n3A_456 = arith.select %lt3A_454, %select_n3A_453, %select_n3A_404 : vector<4096x128xi1>, vector<4096x128xf32>
    %get3A_457 = arith.constant 4096 : index
    %get3A_458 = arith.constant 0 : index
    %get3A_459 = vector.load %arg2[%get3A_457, %get3A_458] : memref<8192x256xbf16, #tpu.memory_space<vmem>>, vector<1024x256xbf16>
    %dot_general3A_460 = arith.constant dense<0.000000e+00> : vector<4096x1024xf32>
    %dot_general3A_461 = tpu.matmul %get3A_1, %get3A_459, %dot_general3A_460 {dimension_numbers = #tpu.dot_dimension_numbers<[1], [1], [0], [0], [0, 0, 1, 0], [], []>, transpose_lhs_hint = false} : vector<4096x256xbf16>, vector<1024x256xbf16>, vector<4096x1024xf32> -> vector<4096x1024xf32>
    %get3A_462 = arith.constant 0 : index
    %get3A_463 = arith.constant 4096 : index
    %get3A_464 = vector.load %arg4[%get3A_462, %get3A_463] : memref<1x8192xf32, #tpu.memory_space<vmem>>, vector<1x128xf32>
    %add3A_465 = vector.broadcast %get3A_4 : vector<4096x1xf32> to vector<4096x128xf32>
    %add3A_466 = vector.broadcast %get3A_464 : vector<1x128xf32> to vector<4096x128xf32>
    %add3A_467 = arith.addf %add3A_465, %add3A_466 : vector<4096x128xf32>
    %slice3A_468 = vector.extract_strided_slice %dot_general3A_461 {offsets = [0, 0], sizes = [4096, 128], strides = [1, 1]} : vector<4096x1024xf32> to vector<4096x128xf32>
    %sub3A_469 = arith.subf %add3A_467, %slice3A_468 : vector<4096x128xf32>
    %get3A_470 = arith.constant 0 : index
    %get3A_471 = arith.constant 4224 : index
    %get3A_472 = vector.load %arg4[%get3A_470, %get3A_471] : memref<1x8192xf32, #tpu.memory_space<vmem>>, vector<1x128xf32>
    %add3A_473 = vector.broadcast %get3A_4 : vector<4096x1xf32> to vector<4096x128xf32>
    %add3A_474 = vector.broadcast %get3A_472 : vector<1x128xf32> to vector<4096x128xf32>
    %add3A_475 = arith.addf %add3A_473, %add3A_474 : vector<4096x128xf32>
    %slice3A_476 = vector.extract_strided_slice %dot_general3A_461 {offsets = [0, 128], sizes = [4096, 128], strides = [1, 1]} : vector<4096x1024xf32> to vector<4096x128xf32>
    %sub3A_477 = arith.subf %add3A_475, %slice3A_476 : vector<4096x128xf32>
    %get3A_478 = arith.constant 0 : index
    %get3A_479 = arith.constant 4352 : index
    %get3A_480 = vector.load %arg4[%get3A_478, %get3A_479] : memref<1x8192xf32, #tpu.memory_space<vmem>>, vector<1x128xf32>
    %add3A_481 = vector.broadcast %get3A_4 : vector<4096x1xf32> to vector<4096x128xf32>
    %add3A_482 = vector.broadcast %get3A_480 : vector<1x128xf32> to vector<4096x128xf32>
    %add3A_483 = arith.addf %add3A_481, %add3A_482 : vector<4096x128xf32>
    %slice3A_484 = vector.extract_strided_slice %dot_general3A_461 {offsets = [0, 256], sizes = [4096, 128], strides = [1, 1]} : vector<4096x1024xf32> to vector<4096x128xf32>
    %sub3A_485 = arith.subf %add3A_483, %slice3A_484 : vector<4096x128xf32>
    %get3A_486 = arith.constant 0 : index
    %get3A_487 = arith.constant 4480 : index
    %get3A_488 = vector.load %arg4[%get3A_486, %get3A_487] : memref<1x8192xf32, #tpu.memory_space<vmem>>, vector<1x128xf32>
    %add3A_489 = vector.broadcast %get3A_4 : vector<4096x1xf32> to vector<4096x128xf32>
    %add3A_490 = vector.broadcast %get3A_488 : vector<1x128xf32> to vector<4096x128xf32>
    %add3A_491 = arith.addf %add3A_489, %add3A_490 : vector<4096x128xf32>
    %slice3A_492 = vector.extract_strided_slice %dot_general3A_461 {offsets = [0, 384], sizes = [4096, 128], strides = [1, 1]} : vector<4096x1024xf32> to vector<4096x128xf32>
    %sub3A_493 = arith.subf %add3A_491, %slice3A_492 : vector<4096x128xf32>
    %min3A_494 = arith.minimumf %sub3A_469, %sub3A_477 : vector<4096x128xf32>
    %lt3A_495 = arith.cmpf olt, %sub3A_477, %sub3A_469 : vector<4096x128xf32>
    %jit3A_496 = arith.constant 3.300000e+01 : f32
    %jit3A_497 = arith.constant 3.200000e+01 : f32
    %broadcast_in_dim3A_498 = vector.broadcast %jit3A_496 : f32 to vector<4096x128xf32>
    %broadcast_in_dim3A_499 = vector.broadcast %jit3A_497 : f32 to vector<4096x128xf32>
    %select_n3A_500 = arith.select %lt3A_495, %broadcast_in_dim3A_498, %broadcast_in_dim3A_499 : vector<4096x128xi1>, vector<4096x128xf32>
    %min3A_501 = arith.minimumf %sub3A_485, %sub3A_493 : vector<4096x128xf32>
    %lt3A_502 = arith.cmpf olt, %sub3A_493, %sub3A_485 : vector<4096x128xf32>
    %jit3A_503 = arith.constant 3.500000e+01 : f32
    %jit3A_504 = arith.constant 3.400000e+01 : f32
    %broadcast_in_dim3A_505 = vector.broadcast %jit3A_503 : f32 to vector<4096x128xf32>
    %broadcast_in_dim3A_506 = vector.broadcast %jit3A_504 : f32 to vector<4096x128xf32>
    %select_n3A_507 = arith.select %lt3A_502, %broadcast_in_dim3A_505, %broadcast_in_dim3A_506 : vector<4096x128xi1>, vector<4096x128xf32>
    %min3A_508 = arith.minimumf %min3A_494, %min3A_501 : vector<4096x128xf32>
    %lt3A_509 = arith.cmpf olt, %min3A_501, %min3A_494 : vector<4096x128xf32>
    %select_n3A_510 = arith.select %lt3A_509, %select_n3A_507, %select_n3A_500 : vector<4096x128xi1>, vector<4096x128xf32>
    %lt3A_511 = arith.cmpf olt, %min3A_508, %select_n3A_455 : vector<4096x128xf32>
    %select_n3A_512 = arith.select %lt3A_511, %min3A_508, %select_n3A_455 : vector<4096x128xi1>, vector<4096x128xf32>
    %select_n3A_513 = arith.select %lt3A_511, %select_n3A_510, %select_n3A_456 : vector<4096x128xi1>, vector<4096x128xf32>
    %get3A_514 = arith.constant 0 : index
    %get3A_515 = arith.constant 4608 : index
    %get3A_516 = vector.load %arg4[%get3A_514, %get3A_515] : memref<1x8192xf32, #tpu.memory_space<vmem>>, vector<1x128xf32>
    %add3A_517 = vector.broadcast %get3A_4 : vector<4096x1xf32> to vector<4096x128xf32>
    %add3A_518 = vector.broadcast %get3A_516 : vector<1x128xf32> to vector<4096x128xf32>
    %add3A_519 = arith.addf %add3A_517, %add3A_518 : vector<4096x128xf32>
    %slice3A_520 = vector.extract_strided_slice %dot_general3A_461 {offsets = [0, 512], sizes = [4096, 128], strides = [1, 1]} : vector<4096x1024xf32> to vector<4096x128xf32>
    %sub3A_521 = arith.subf %add3A_519, %slice3A_520 : vector<4096x128xf32>
    %get3A_522 = arith.constant 0 : index
    %get3A_523 = arith.constant 4736 : index
    %get3A_524 = vector.load %arg4[%get3A_522, %get3A_523] : memref<1x8192xf32, #tpu.memory_space<vmem>>, vector<1x128xf32>
    %add3A_525 = vector.broadcast %get3A_4 : vector<4096x1xf32> to vector<4096x128xf32>
    %add3A_526 = vector.broadcast %get3A_524 : vector<1x128xf32> to vector<4096x128xf32>
    %add3A_527 = arith.addf %add3A_525, %add3A_526 : vector<4096x128xf32>
    %slice3A_528 = vector.extract_strided_slice %dot_general3A_461 {offsets = [0, 640], sizes = [4096, 128], strides = [1, 1]} : vector<4096x1024xf32> to vector<4096x128xf32>
    %sub3A_529 = arith.subf %add3A_527, %slice3A_528 : vector<4096x128xf32>
    %get3A_530 = arith.constant 0 : index
    %get3A_531 = arith.constant 4864 : index
    %get3A_532 = vector.load %arg4[%get3A_530, %get3A_531] : memref<1x8192xf32, #tpu.memory_space<vmem>>, vector<1x128xf32>
    %add3A_533 = vector.broadcast %get3A_4 : vector<4096x1xf32> to vector<4096x128xf32>
    %add3A_534 = vector.broadcast %get3A_532 : vector<1x128xf32> to vector<4096x128xf32>
    %add3A_535 = arith.addf %add3A_533, %add3A_534 : vector<4096x128xf32>
    %slice3A_536 = vector.extract_strided_slice %dot_general3A_461 {offsets = [0, 768], sizes = [4096, 128], strides = [1, 1]} : vector<4096x1024xf32> to vector<4096x128xf32>
    %sub3A_537 = arith.subf %add3A_535, %slice3A_536 : vector<4096x128xf32>
    %get3A_538 = arith.constant 0 : index
    %get3A_539 = arith.constant 4992 : index
    %get3A_540 = vector.load %arg4[%get3A_538, %get3A_539] : memref<1x8192xf32, #tpu.memory_space<vmem>>, vector<1x128xf32>
    %add3A_541 = vector.broadcast %get3A_4 : vector<4096x1xf32> to vector<4096x128xf32>
    %add3A_542 = vector.broadcast %get3A_540 : vector<1x128xf32> to vector<4096x128xf32>
    %add3A_543 = arith.addf %add3A_541, %add3A_542 : vector<4096x128xf32>
    %slice3A_544 = vector.extract_strided_slice %dot_general3A_461 {offsets = [0, 896], sizes = [4096, 128], strides = [1, 1]} : vector<4096x1024xf32> to vector<4096x128xf32>
    %sub3A_545 = arith.subf %add3A_543, %slice3A_544 : vector<4096x128xf32>
    %min3A_546 = arith.minimumf %sub3A_521, %sub3A_529 : vector<4096x128xf32>
    %lt3A_547 = arith.cmpf olt, %sub3A_529, %sub3A_521 : vector<4096x128xf32>
    %jit3A_548 = arith.constant 3.700000e+01 : f32
    %jit3A_549 = arith.constant 3.600000e+01 : f32
    %broadcast_in_dim3A_550 = vector.broadcast %jit3A_548 : f32 to vector<4096x128xf32>
    %broadcast_in_dim3A_551 = vector.broadcast %jit3A_549 : f32 to vector<4096x128xf32>
    %select_n3A_552 = arith.select %lt3A_547, %broadcast_in_dim3A_550, %broadcast_in_dim3A_551 : vector<4096x128xi1>, vector<4096x128xf32>
    %min3A_553 = arith.minimumf %sub3A_537, %sub3A_545 : vector<4096x128xf32>
    %lt3A_554 = arith.cmpf olt, %sub3A_545, %sub3A_537 : vector<4096x128xf32>
    %jit3A_555 = arith.constant 3.900000e+01 : f32
    %jit3A_556 = arith.constant 3.800000e+01 : f32
    %broadcast_in_dim3A_557 = vector.broadcast %jit3A_555 : f32 to vector<4096x128xf32>
    %broadcast_in_dim3A_558 = vector.broadcast %jit3A_556 : f32 to vector<4096x128xf32>
    %select_n3A_559 = arith.select %lt3A_554, %broadcast_in_dim3A_557, %broadcast_in_dim3A_558 : vector<4096x128xi1>, vector<4096x128xf32>
    %min3A_560 = arith.minimumf %min3A_546, %min3A_553 : vector<4096x128xf32>
    %lt3A_561 = arith.cmpf olt, %min3A_553, %min3A_546 : vector<4096x128xf32>
    %select_n3A_562 = arith.select %lt3A_561, %select_n3A_559, %select_n3A_552 : vector<4096x128xi1>, vector<4096x128xf32>
    %lt3A_563 = arith.cmpf olt, %min3A_560, %select_n3A_512 : vector<4096x128xf32>
    %select_n3A_564 = arith.select %lt3A_563, %min3A_560, %select_n3A_512 : vector<4096x128xi1>, vector<4096x128xf32>
    %select_n3A_565 = arith.select %lt3A_563, %select_n3A_562, %select_n3A_513 : vector<4096x128xi1>, vector<4096x128xf32>
    %get3A_566 = arith.constant 5120 : index
    %get3A_567 = arith.constant 0 : index
    %get3A_568 = vector.load %arg2[%get3A_566, %get3A_567] : memref<8192x256xbf16, #tpu.memory_space<vmem>>, vector<1024x256xbf16>
    %dot_general3A_569 = arith.constant dense<0.000000e+00> : vector<4096x1024xf32>
    %dot_general3A_570 = tpu.matmul %get3A_1, %get3A_568, %dot_general3A_569 {dimension_numbers = #tpu.dot_dimension_numbers<[1], [1], [0], [0], [0, 0, 1, 0], [], []>, transpose_lhs_hint = false} : vector<4096x256xbf16>, vector<1024x256xbf16>, vector<4096x1024xf32> -> vector<4096x1024xf32>
    %get3A_571 = arith.constant 0 : index
    %get3A_572 = arith.constant 5120 : index
    %get3A_573 = vector.load %arg4[%get3A_571, %get3A_572] : memref<1x8192xf32, #tpu.memory_space<vmem>>, vector<1x128xf32>
    %add3A_574 = vector.broadcast %get3A_4 : vector<4096x1xf32> to vector<4096x128xf32>
    %add3A_575 = vector.broadcast %get3A_573 : vector<1x128xf32> to vector<4096x128xf32>
    %add3A_576 = arith.addf %add3A_574, %add3A_575 : vector<4096x128xf32>
    %slice3A_577 = vector.extract_strided_slice %dot_general3A_570 {offsets = [0, 0], sizes = [4096, 128], strides = [1, 1]} : vector<4096x1024xf32> to vector<4096x128xf32>
    %sub3A_578 = arith.subf %add3A_576, %slice3A_577 : vector<4096x128xf32>
    %get3A_579 = arith.constant 0 : index
    %get3A_580 = arith.constant 5248 : index
    %get3A_581 = vector.load %arg4[%get3A_579, %get3A_580] : memref<1x8192xf32, #tpu.memory_space<vmem>>, vector<1x128xf32>
    %add3A_582 = vector.broadcast %get3A_4 : vector<4096x1xf32> to vector<4096x128xf32>
    %add3A_583 = vector.broadcast %get3A_581 : vector<1x128xf32> to vector<4096x128xf32>
    %add3A_584 = arith.addf %add3A_582, %add3A_583 : vector<4096x128xf32>
    %slice3A_585 = vector.extract_strided_slice %dot_general3A_570 {offsets = [0, 128], sizes = [4096, 128], strides = [1, 1]} : vector<4096x1024xf32> to vector<4096x128xf32>
    %sub3A_586 = arith.subf %add3A_584, %slice3A_585 : vector<4096x128xf32>
    %get3A_587 = arith.constant 0 : index
    %get3A_588 = arith.constant 5376 : index
    %get3A_589 = vector.load %arg4[%get3A_587, %get3A_588] : memref<1x8192xf32, #tpu.memory_space<vmem>>, vector<1x128xf32>
    %add3A_590 = vector.broadcast %get3A_4 : vector<4096x1xf32> to vector<4096x128xf32>
    %add3A_591 = vector.broadcast %get3A_589 : vector<1x128xf32> to vector<4096x128xf32>
    %add3A_592 = arith.addf %add3A_590, %add3A_591 : vector<4096x128xf32>
    %slice3A_593 = vector.extract_strided_slice %dot_general3A_570 {offsets = [0, 256], sizes = [4096, 128], strides = [1, 1]} : vector<4096x1024xf32> to vector<4096x128xf32>
    %sub3A_594 = arith.subf %add3A_592, %slice3A_593 : vector<4096x128xf32>
    %get3A_595 = arith.constant 0 : index
    %get3A_596 = arith.constant 5504 : index
    %get3A_597 = vector.load %arg4[%get3A_595, %get3A_596] : memref<1x8192xf32, #tpu.memory_space<vmem>>, vector<1x128xf32>
    %add3A_598 = vector.broadcast %get3A_4 : vector<4096x1xf32> to vector<4096x128xf32>
    %add3A_599 = vector.broadcast %get3A_597 : vector<1x128xf32> to vector<4096x128xf32>
    %add3A_600 = arith.addf %add3A_598, %add3A_599 : vector<4096x128xf32>
    %slice3A_601 = vector.extract_strided_slice %dot_general3A_570 {offsets = [0, 384], sizes = [4096, 128], strides = [1, 1]} : vector<4096x1024xf32> to vector<4096x128xf32>
    %sub3A_602 = arith.subf %add3A_600, %slice3A_601 : vector<4096x128xf32>
    %min3A_603 = arith.minimumf %sub3A_578, %sub3A_586 : vector<4096x128xf32>
    %lt3A_604 = arith.cmpf olt, %sub3A_586, %sub3A_578 : vector<4096x128xf32>
    %jit3A_605 = arith.constant 4.100000e+01 : f32
    %jit3A_606 = arith.constant 4.000000e+01 : f32
    %broadcast_in_dim3A_607 = vector.broadcast %jit3A_605 : f32 to vector<4096x128xf32>
    %broadcast_in_dim3A_608 = vector.broadcast %jit3A_606 : f32 to vector<4096x128xf32>
    %select_n3A_609 = arith.select %lt3A_604, %broadcast_in_dim3A_607, %broadcast_in_dim3A_608 : vector<4096x128xi1>, vector<4096x128xf32>
    %min3A_610 = arith.minimumf %sub3A_594, %sub3A_602 : vector<4096x128xf32>
    %lt3A_611 = arith.cmpf olt, %sub3A_602, %sub3A_594 : vector<4096x128xf32>
    %jit3A_612 = arith.constant 4.300000e+01 : f32
    %jit3A_613 = arith.constant 4.200000e+01 : f32
    %broadcast_in_dim3A_614 = vector.broadcast %jit3A_612 : f32 to vector<4096x128xf32>
    %broadcast_in_dim3A_615 = vector.broadcast %jit3A_613 : f32 to vector<4096x128xf32>
    %select_n3A_616 = arith.select %lt3A_611, %broadcast_in_dim3A_614, %broadcast_in_dim3A_615 : vector<4096x128xi1>, vector<4096x128xf32>
    %min3A_617 = arith.minimumf %min3A_603, %min3A_610 : vector<4096x128xf32>
    %lt3A_618 = arith.cmpf olt, %min3A_610, %min3A_603 : vector<4096x128xf32>
    %select_n3A_619 = arith.select %lt3A_618, %select_n3A_616, %select_n3A_609 : vector<4096x128xi1>, vector<4096x128xf32>
    %lt3A_620 = arith.cmpf olt, %min3A_617, %select_n3A_564 : vector<4096x128xf32>
    %select_n3A_621 = arith.select %lt3A_620, %min3A_617, %select_n3A_564 : vector<4096x128xi1>, vector<4096x128xf32>
    %select_n3A_622 = arith.select %lt3A_620, %select_n3A_619, %select_n3A_565 : vector<4096x128xi1>, vector<4096x128xf32>
    %reduce_min3A_623 = arith.constant dense<0x7F800000> : vector<4096xf32>
    %reduce_min3A_624 = vector.multi_reduction <minimumf>, %select_n3A_621, %reduce_min3A_623 [1] : vector<4096x128xf32> to vector<4096xf32>
    %broadcast_in_dim3A_625 = vector.shape_cast %reduce_min3A_624 : vector<4096xf32> to vector<4096x1xf32>
    %mul3A_626 = arith.constant 1.280000e+02 : f32
    %mul3A_627 = vector.broadcast %mul3A_626 : f32 to vector<4096x128xf32>
    %mul3A_628 = arith.mulf %select_n3A_622, %mul3A_627 : vector<4096x128xf32>
    %add3A_629 = arith.addf %mul3A_628, %convert_element_type3A : vector<4096x128xf32>
    %eq3A_630 = vector.broadcast %broadcast_in_dim3A_625 : vector<4096x1xf32> to vector<4096x128xf32>
    %eq3A_631 = arith.cmpf oeq, %select_n3A_621, %eq3A_630 : vector<4096x128xf32>
    %jit3A_632 = arith.constant 1.000000e+09 : f32
    %broadcast_in_dim3A_633 = vector.broadcast %jit3A_632 : f32 to vector<4096x128xf32>
    %select_n3A_634 = arith.select %eq3A_631, %add3A_629, %broadcast_in_dim3A_633 : vector<4096x128xi1>, vector<4096x128xf32>
    %reduce_min3A_635 = arith.constant dense<0x7F800000> : vector<4096xf32>
    %reduce_min3A_636 = vector.multi_reduction <minimumf>, %select_n3A_634, %reduce_min3A_635 [1] : vector<4096x128xf32> to vector<4096xf32>
    %broadcast_in_dim3A_637 = vector.shape_cast %reduce_min3A_636 : vector<4096xf32> to vector<4096x1xf32>
    %lt3A_638 = arith.cmpf olt, %broadcast_in_dim3A_625, %convert_element_type3A_321 : vector<4096x1xf32>
    %select_n3A_639 = arith.select %lt3A_638, %broadcast_in_dim3A_637, %select_n3A_318 : vector<4096x1xi1>, vector<4096x1xf32>
    %select_n3A_640 = arith.select %lt3A_638, %broadcast_in_dim3A_625, %convert_element_type3A_321 : vector<4096x1xi1>, vector<4096x1xf32>
    %convert_element_type3A_641 = arith.truncf %select_n3A_640 : vector<4096x1xf32> to vector<4096x1xbf16>
    %convert_element_type3A_642 = arith.extf %convert_element_type3A_641 : vector<4096x1xbf16> to vector<4096x1xf32>
    %get3A_643 = arith.constant 0 : index
    %get3A_644 = arith.constant 5632 : index
    %get3A_645 = vector.load %arg4[%get3A_643, %get3A_644] : memref<1x8192xf32, #tpu.memory_space<vmem>>, vector<1x128xf32>
    %add3A_646 = vector.broadcast %get3A_4 : vector<4096x1xf32> to vector<4096x128xf32>
    %add3A_647 = vector.broadcast %get3A_645 : vector<1x128xf32> to vector<4096x128xf32>
    %add3A_648 = arith.addf %add3A_646, %add3A_647 : vector<4096x128xf32>
    %slice3A_649 = vector.extract_strided_slice %dot_general3A_570 {offsets = [0, 512], sizes = [4096, 128], strides = [1, 1]} : vector<4096x1024xf32> to vector<4096x128xf32>
    %sub3A_650 = arith.subf %add3A_648, %slice3A_649 : vector<4096x128xf32>
    %get3A_651 = arith.constant 0 : index
    %get3A_652 = arith.constant 5760 : index
    %get3A_653 = vector.load %arg4[%get3A_651, %get3A_652] : memref<1x8192xf32, #tpu.memory_space<vmem>>, vector<1x128xf32>
    %add3A_654 = vector.broadcast %get3A_4 : vector<4096x1xf32> to vector<4096x128xf32>
    %add3A_655 = vector.broadcast %get3A_653 : vector<1x128xf32> to vector<4096x128xf32>
    %add3A_656 = arith.addf %add3A_654, %add3A_655 : vector<4096x128xf32>
    %slice3A_657 = vector.extract_strided_slice %dot_general3A_570 {offsets = [0, 640], sizes = [4096, 128], strides = [1, 1]} : vector<4096x1024xf32> to vector<4096x128xf32>
    %sub3A_658 = arith.subf %add3A_656, %slice3A_657 : vector<4096x128xf32>
    %get3A_659 = arith.constant 0 : index
    %get3A_660 = arith.constant 5888 : index
    %get3A_661 = vector.load %arg4[%get3A_659, %get3A_660] : memref<1x8192xf32, #tpu.memory_space<vmem>>, vector<1x128xf32>
    %add3A_662 = vector.broadcast %get3A_4 : vector<4096x1xf32> to vector<4096x128xf32>
    %add3A_663 = vector.broadcast %get3A_661 : vector<1x128xf32> to vector<4096x128xf32>
    %add3A_664 = arith.addf %add3A_662, %add3A_663 : vector<4096x128xf32>
    %slice3A_665 = vector.extract_strided_slice %dot_general3A_570 {offsets = [0, 768], sizes = [4096, 128], strides = [1, 1]} : vector<4096x1024xf32> to vector<4096x128xf32>
    %sub3A_666 = arith.subf %add3A_664, %slice3A_665 : vector<4096x128xf32>
    %get3A_667 = arith.constant 0 : index
    %get3A_668 = arith.constant 6016 : index
    %get3A_669 = vector.load %arg4[%get3A_667, %get3A_668] : memref<1x8192xf32, #tpu.memory_space<vmem>>, vector<1x128xf32>
    %add3A_670 = vector.broadcast %get3A_4 : vector<4096x1xf32> to vector<4096x128xf32>
    %add3A_671 = vector.broadcast %get3A_669 : vector<1x128xf32> to vector<4096x128xf32>
    %add3A_672 = arith.addf %add3A_670, %add3A_671 : vector<4096x128xf32>
    %slice3A_673 = vector.extract_strided_slice %dot_general3A_570 {offsets = [0, 896], sizes = [4096, 128], strides = [1, 1]} : vector<4096x1024xf32> to vector<4096x128xf32>
    %sub3A_674 = arith.subf %add3A_672, %slice3A_673 : vector<4096x128xf32>
    %min3A_675 = arith.minimumf %sub3A_650, %sub3A_658 : vector<4096x128xf32>
    %lt3A_676 = arith.cmpf olt, %sub3A_658, %sub3A_650 : vector<4096x128xf32>
    %jit3A_677 = arith.constant 4.500000e+01 : f32
    %jit3A_678 = arith.constant 4.400000e+01 : f32
    %broadcast_in_dim3A_679 = vector.broadcast %jit3A_677 : f32 to vector<4096x128xf32>
    %broadcast_in_dim3A_680 = vector.broadcast %jit3A_678 : f32 to vector<4096x128xf32>
    %select_n3A_681 = arith.select %lt3A_676, %broadcast_in_dim3A_679, %broadcast_in_dim3A_680 : vector<4096x128xi1>, vector<4096x128xf32>
    %min3A_682 = arith.minimumf %sub3A_666, %sub3A_674 : vector<4096x128xf32>
    %lt3A_683 = arith.cmpf olt, %sub3A_674, %sub3A_666 : vector<4096x128xf32>
    %jit3A_684 = arith.constant 4.700000e+01 : f32
    %jit3A_685 = arith.constant 4.600000e+01 : f32
    %broadcast_in_dim3A_686 = vector.broadcast %jit3A_684 : f32 to vector<4096x128xf32>
    %broadcast_in_dim3A_687 = vector.broadcast %jit3A_685 : f32 to vector<4096x128xf32>
    %select_n3A_688 = arith.select %lt3A_683, %broadcast_in_dim3A_686, %broadcast_in_dim3A_687 : vector<4096x128xi1>, vector<4096x128xf32>
    %min3A_689 = arith.minimumf %min3A_675, %min3A_682 : vector<4096x128xf32>
    %lt3A_690 = arith.cmpf olt, %min3A_682, %min3A_675 : vector<4096x128xf32>
    %select_n3A_691 = arith.select %lt3A_690, %select_n3A_688, %select_n3A_681 : vector<4096x128xi1>, vector<4096x128xf32>
    %lt3A_692 = arith.cmpf olt, %min3A_689, %broadcast_in_dim3A_7 : vector<4096x128xf32>
    %select_n3A_693 = arith.select %lt3A_692, %min3A_689, %broadcast_in_dim3A_7 : vector<4096x128xi1>, vector<4096x128xf32>
    %select_n3A_694 = arith.select %lt3A_692, %select_n3A_691, %broadcast_in_dim3A_9 : vector<4096x128xi1>, vector<4096x128xf32>
    %get3A_695 = arith.constant 6144 : index
    %get3A_696 = arith.constant 0 : index
    %get3A_697 = vector.load %arg2[%get3A_695, %get3A_696] : memref<8192x256xbf16, #tpu.memory_space<vmem>>, vector<1024x256xbf16>
    %dot_general3A_698 = arith.constant dense<0.000000e+00> : vector<4096x1024xf32>
    %dot_general3A_699 = tpu.matmul %get3A_1, %get3A_697, %dot_general3A_698 {dimension_numbers = #tpu.dot_dimension_numbers<[1], [1], [0], [0], [0, 0, 1, 0], [], []>, transpose_lhs_hint = false} : vector<4096x256xbf16>, vector<1024x256xbf16>, vector<4096x1024xf32> -> vector<4096x1024xf32>
    %get3A_700 = arith.constant 0 : index
    %get3A_701 = arith.constant 6144 : index
    %get3A_702 = vector.load %arg4[%get3A_700, %get3A_701] : memref<1x8192xf32, #tpu.memory_space<vmem>>, vector<1x128xf32>
    %add3A_703 = vector.broadcast %get3A_4 : vector<4096x1xf32> to vector<4096x128xf32>
    %add3A_704 = vector.broadcast %get3A_702 : vector<1x128xf32> to vector<4096x128xf32>
    %add3A_705 = arith.addf %add3A_703, %add3A_704 : vector<4096x128xf32>
    %slice3A_706 = vector.extract_strided_slice %dot_general3A_699 {offsets = [0, 0], sizes = [4096, 128], strides = [1, 1]} : vector<4096x1024xf32> to vector<4096x128xf32>
    %sub3A_707 = arith.subf %add3A_705, %slice3A_706 : vector<4096x128xf32>
    %get3A_708 = arith.constant 0 : index
    %get3A_709 = arith.constant 6272 : index
    %get3A_710 = vector.load %arg4[%get3A_708, %get3A_709] : memref<1x8192xf32, #tpu.memory_space<vmem>>, vector<1x128xf32>
    %add3A_711 = vector.broadcast %get3A_4 : vector<4096x1xf32> to vector<4096x128xf32>
    %add3A_712 = vector.broadcast %get3A_710 : vector<1x128xf32> to vector<4096x128xf32>
    %add3A_713 = arith.addf %add3A_711, %add3A_712 : vector<4096x128xf32>
    %slice3A_714 = vector.extract_strided_slice %dot_general3A_699 {offsets = [0, 128], sizes = [4096, 128], strides = [1, 1]} : vector<4096x1024xf32> to vector<4096x128xf32>
    %sub3A_715 = arith.subf %add3A_713, %slice3A_714 : vector<4096x128xf32>
    %get3A_716 = arith.constant 0 : index
    %get3A_717 = arith.constant 6400 : index
    %get3A_718 = vector.load %arg4[%get3A_716, %get3A_717] : memref<1x8192xf32, #tpu.memory_space<vmem>>, vector<1x128xf32>
    %add3A_719 = vector.broadcast %get3A_4 : vector<4096x1xf32> to vector<4096x128xf32>
    %add3A_720 = vector.broadcast %get3A_718 : vector<1x128xf32> to vector<4096x128xf32>
    %add3A_721 = arith.addf %add3A_719, %add3A_720 : vector<4096x128xf32>
    %slice3A_722 = vector.extract_strided_slice %dot_general3A_699 {offsets = [0, 256], sizes = [4096, 128], strides = [1, 1]} : vector<4096x1024xf32> to vector<4096x128xf32>
    %sub3A_723 = arith.subf %add3A_721, %slice3A_722 : vector<4096x128xf32>
    %get3A_724 = arith.constant 0 : index
    %get3A_725 = arith.constant 6528 : index
    %get3A_726 = vector.load %arg4[%get3A_724, %get3A_725] : memref<1x8192xf32, #tpu.memory_space<vmem>>, vector<1x128xf32>
    %add3A_727 = vector.broadcast %get3A_4 : vector<4096x1xf32> to vector<4096x128xf32>
    %add3A_728 = vector.broadcast %get3A_726 : vector<1x128xf32> to vector<4096x128xf32>
    %add3A_729 = arith.addf %add3A_727, %add3A_728 : vector<4096x128xf32>
    %slice3A_730 = vector.extract_strided_slice %dot_general3A_699 {offsets = [0, 384], sizes = [4096, 128], strides = [1, 1]} : vector<4096x1024xf32> to vector<4096x128xf32>
    %sub3A_731 = arith.subf %add3A_729, %slice3A_730 : vector<4096x128xf32>
    %min3A_732 = arith.minimumf %sub3A_707, %sub3A_715 : vector<4096x128xf32>
    %lt3A_733 = arith.cmpf olt, %sub3A_715, %sub3A_707 : vector<4096x128xf32>
    %jit3A_734 = arith.constant 4.900000e+01 : f32
    %jit3A_735 = arith.constant 4.800000e+01 : f32
    %broadcast_in_dim3A_736 = vector.broadcast %jit3A_734 : f32 to vector<4096x128xf32>
    %broadcast_in_dim3A_737 = vector.broadcast %jit3A_735 : f32 to vector<4096x128xf32>
    %select_n3A_738 = arith.select %lt3A_733, %broadcast_in_dim3A_736, %broadcast_in_dim3A_737 : vector<4096x128xi1>, vector<4096x128xf32>
    %min3A_739 = arith.minimumf %sub3A_723, %sub3A_731 : vector<4096x128xf32>
    %lt3A_740 = arith.cmpf olt, %sub3A_731, %sub3A_723 : vector<4096x128xf32>
    %jit3A_741 = arith.constant 5.100000e+01 : f32
    %jit3A_742 = arith.constant 5.000000e+01 : f32
    %broadcast_in_dim3A_743 = vector.broadcast %jit3A_741 : f32 to vector<4096x128xf32>
    %broadcast_in_dim3A_744 = vector.broadcast %jit3A_742 : f32 to vector<4096x128xf32>
    %select_n3A_745 = arith.select %lt3A_740, %broadcast_in_dim3A_743, %broadcast_in_dim3A_744 : vector<4096x128xi1>, vector<4096x128xf32>
    %min3A_746 = arith.minimumf %min3A_732, %min3A_739 : vector<4096x128xf32>
    %lt3A_747 = arith.cmpf olt, %min3A_739, %min3A_732 : vector<4096x128xf32>
    %select_n3A_748 = arith.select %lt3A_747, %select_n3A_745, %select_n3A_738 : vector<4096x128xi1>, vector<4096x128xf32>
    %lt3A_749 = arith.cmpf olt, %min3A_746, %select_n3A_693 : vector<4096x128xf32>
    %select_n3A_750 = arith.select %lt3A_749, %min3A_746, %select_n3A_693 : vector<4096x128xi1>, vector<4096x128xf32>
    %select_n3A_751 = arith.select %lt3A_749, %select_n3A_748, %select_n3A_694 : vector<4096x128xi1>, vector<4096x128xf32>
    %get3A_752 = arith.constant 0 : index
    %get3A_753 = arith.constant 6656 : index
    %get3A_754 = vector.load %arg4[%get3A_752, %get3A_753] : memref<1x8192xf32, #tpu.memory_space<vmem>>, vector<1x128xf32>
    %add3A_755 = vector.broadcast %get3A_4 : vector<4096x1xf32> to vector<4096x128xf32>
    %add3A_756 = vector.broadcast %get3A_754 : vector<1x128xf32> to vector<4096x128xf32>
    %add3A_757 = arith.addf %add3A_755, %add3A_756 : vector<4096x128xf32>
    %slice3A_758 = vector.extract_strided_slice %dot_general3A_699 {offsets = [0, 512], sizes = [4096, 128], strides = [1, 1]} : vector<4096x1024xf32> to vector<4096x128xf32>
    %sub3A_759 = arith.subf %add3A_757, %slice3A_758 : vector<4096x128xf32>
    %get3A_760 = arith.constant 0 : index
    %get3A_761 = arith.constant 6784 : index
    %get3A_762 = vector.load %arg4[%get3A_760, %get3A_761] : memref<1x8192xf32, #tpu.memory_space<vmem>>, vector<1x128xf32>
    %add3A_763 = vector.broadcast %get3A_4 : vector<4096x1xf32> to vector<4096x128xf32>
    %add3A_764 = vector.broadcast %get3A_762 : vector<1x128xf32> to vector<4096x128xf32>
    %add3A_765 = arith.addf %add3A_763, %add3A_764 : vector<4096x128xf32>
    %slice3A_766 = vector.extract_strided_slice %dot_general3A_699 {offsets = [0, 640], sizes = [4096, 128], strides = [1, 1]} : vector<4096x1024xf32> to vector<4096x128xf32>
    %sub3A_767 = arith.subf %add3A_765, %slice3A_766 : vector<4096x128xf32>
    %get3A_768 = arith.constant 0 : index
    %get3A_769 = arith.constant 6912 : index
    %get3A_770 = vector.load %arg4[%get3A_768, %get3A_769] : memref<1x8192xf32, #tpu.memory_space<vmem>>, vector<1x128xf32>
    %add3A_771 = vector.broadcast %get3A_4 : vector<4096x1xf32> to vector<4096x128xf32>
    %add3A_772 = vector.broadcast %get3A_770 : vector<1x128xf32> to vector<4096x128xf32>
    %add3A_773 = arith.addf %add3A_771, %add3A_772 : vector<4096x128xf32>
    %slice3A_774 = vector.extract_strided_slice %dot_general3A_699 {offsets = [0, 768], sizes = [4096, 128], strides = [1, 1]} : vector<4096x1024xf32> to vector<4096x128xf32>
    %sub3A_775 = arith.subf %add3A_773, %slice3A_774 : vector<4096x128xf32>
    %get3A_776 = arith.constant 0 : index
    %get3A_777 = arith.constant 7040 : index
    %get3A_778 = vector.load %arg4[%get3A_776, %get3A_777] : memref<1x8192xf32, #tpu.memory_space<vmem>>, vector<1x128xf32>
    %add3A_779 = vector.broadcast %get3A_4 : vector<4096x1xf32> to vector<4096x128xf32>
    %add3A_780 = vector.broadcast %get3A_778 : vector<1x128xf32> to vector<4096x128xf32>
    %add3A_781 = arith.addf %add3A_779, %add3A_780 : vector<4096x128xf32>
    %slice3A_782 = vector.extract_strided_slice %dot_general3A_699 {offsets = [0, 896], sizes = [4096, 128], strides = [1, 1]} : vector<4096x1024xf32> to vector<4096x128xf32>
    %sub3A_783 = arith.subf %add3A_781, %slice3A_782 : vector<4096x128xf32>
    %min3A_784 = arith.minimumf %sub3A_759, %sub3A_767 : vector<4096x128xf32>
    %lt3A_785 = arith.cmpf olt, %sub3A_767, %sub3A_759 : vector<4096x128xf32>
    %jit3A_786 = arith.constant 5.300000e+01 : f32
    %jit3A_787 = arith.constant 5.200000e+01 : f32
    %broadcast_in_dim3A_788 = vector.broadcast %jit3A_786 : f32 to vector<4096x128xf32>
    %broadcast_in_dim3A_789 = vector.broadcast %jit3A_787 : f32 to vector<4096x128xf32>
    %select_n3A_790 = arith.select %lt3A_785, %broadcast_in_dim3A_788, %broadcast_in_dim3A_789 : vector<4096x128xi1>, vector<4096x128xf32>
    %min3A_791 = arith.minimumf %sub3A_775, %sub3A_783 : vector<4096x128xf32>
    %lt3A_792 = arith.cmpf olt, %sub3A_783, %sub3A_775 : vector<4096x128xf32>
    %jit3A_793 = arith.constant 5.500000e+01 : f32
    %jit3A_794 = arith.constant 5.400000e+01 : f32
    %broadcast_in_dim3A_795 = vector.broadcast %jit3A_793 : f32 to vector<4096x128xf32>
    %broadcast_in_dim3A_796 = vector.broadcast %jit3A_794 : f32 to vector<4096x128xf32>
    %select_n3A_797 = arith.select %lt3A_792, %broadcast_in_dim3A_795, %broadcast_in_dim3A_796 : vector<4096x128xi1>, vector<4096x128xf32>
    %min3A_798 = arith.minimumf %min3A_784, %min3A_791 : vector<4096x128xf32>
    %lt3A_799 = arith.cmpf olt, %min3A_791, %min3A_784 : vector<4096x128xf32>
    %select_n3A_800 = arith.select %lt3A_799, %select_n3A_797, %select_n3A_790 : vector<4096x128xi1>, vector<4096x128xf32>
    %lt3A_801 = arith.cmpf olt, %min3A_798, %select_n3A_750 : vector<4096x128xf32>
    %select_n3A_802 = arith.select %lt3A_801, %min3A_798, %select_n3A_750 : vector<4096x128xi1>, vector<4096x128xf32>
    %select_n3A_803 = arith.select %lt3A_801, %select_n3A_800, %select_n3A_751 : vector<4096x128xi1>, vector<4096x128xf32>
    %get3A_804 = arith.constant 7168 : index
    %get3A_805 = arith.constant 0 : index
    %get3A_806 = vector.load %arg2[%get3A_804, %get3A_805] : memref<8192x256xbf16, #tpu.memory_space<vmem>>, vector<1024x256xbf16>
    %dot_general3A_807 = arith.constant dense<0.000000e+00> : vector<4096x1024xf32>
    %dot_general3A_808 = tpu.matmul %get3A_1, %get3A_806, %dot_general3A_807 {dimension_numbers = #tpu.dot_dimension_numbers<[1], [1], [0], [0], [0, 0, 1, 0], [], []>, transpose_lhs_hint = false} : vector<4096x256xbf16>, vector<1024x256xbf16>, vector<4096x1024xf32> -> vector<4096x1024xf32>
    %get3A_809 = arith.constant 0 : index
    %get3A_810 = arith.constant 7168 : index
    %get3A_811 = vector.load %arg4[%get3A_809, %get3A_810] : memref<1x8192xf32, #tpu.memory_space<vmem>>, vector<1x128xf32>
    %add3A_812 = vector.broadcast %get3A_4 : vector<4096x1xf32> to vector<4096x128xf32>
    %add3A_813 = vector.broadcast %get3A_811 : vector<1x128xf32> to vector<4096x128xf32>
    %add3A_814 = arith.addf %add3A_812, %add3A_813 : vector<4096x128xf32>
    %slice3A_815 = vector.extract_strided_slice %dot_general3A_808 {offsets = [0, 0], sizes = [4096, 128], strides = [1, 1]} : vector<4096x1024xf32> to vector<4096x128xf32>
    %sub3A_816 = arith.subf %add3A_814, %slice3A_815 : vector<4096x128xf32>
    %get3A_817 = arith.constant 0 : index
    %get3A_818 = arith.constant 7296 : index
    %get3A_819 = vector.load %arg4[%get3A_817, %get3A_818] : memref<1x8192xf32, #tpu.memory_space<vmem>>, vector<1x128xf32>
    %add3A_820 = vector.broadcast %get3A_4 : vector<4096x1xf32> to vector<4096x128xf32>
    %add3A_821 = vector.broadcast %get3A_819 : vector<1x128xf32> to vector<4096x128xf32>
    %add3A_822 = arith.addf %add3A_820, %add3A_821 : vector<4096x128xf32>
    %slice3A_823 = vector.extract_strided_slice %dot_general3A_808 {offsets = [0, 128], sizes = [4096, 128], strides = [1, 1]} : vector<4096x1024xf32> to vector<4096x128xf32>
    %sub3A_824 = arith.subf %add3A_822, %slice3A_823 : vector<4096x128xf32>
    %get3A_825 = arith.constant 0 : index
    %get3A_826 = arith.constant 7424 : index
    %get3A_827 = vector.load %arg4[%get3A_825, %get3A_826] : memref<1x8192xf32, #tpu.memory_space<vmem>>, vector<1x128xf32>
    %add3A_828 = vector.broadcast %get3A_4 : vector<4096x1xf32> to vector<4096x128xf32>
    %add3A_829 = vector.broadcast %get3A_827 : vector<1x128xf32> to vector<4096x128xf32>
    %add3A_830 = arith.addf %add3A_828, %add3A_829 : vector<4096x128xf32>
    %slice3A_831 = vector.extract_strided_slice %dot_general3A_808 {offsets = [0, 256], sizes = [4096, 128], strides = [1, 1]} : vector<4096x1024xf32> to vector<4096x128xf32>
    %sub3A_832 = arith.subf %add3A_830, %slice3A_831 : vector<4096x128xf32>
    %get3A_833 = arith.constant 0 : index
    %get3A_834 = arith.constant 7552 : index
    %get3A_835 = vector.load %arg4[%get3A_833, %get3A_834] : memref<1x8192xf32, #tpu.memory_space<vmem>>, vector<1x128xf32>
    %add3A_836 = vector.broadcast %get3A_4 : vector<4096x1xf32> to vector<4096x128xf32>
    %add3A_837 = vector.broadcast %get3A_835 : vector<1x128xf32> to vector<4096x128xf32>
    %add3A_838 = arith.addf %add3A_836, %add3A_837 : vector<4096x128xf32>
    %slice3A_839 = vector.extract_strided_slice %dot_general3A_808 {offsets = [0, 384], sizes = [4096, 128], strides = [1, 1]} : vector<4096x1024xf32> to vector<4096x128xf32>
    %sub3A_840 = arith.subf %add3A_838, %slice3A_839 : vector<4096x128xf32>
    %min3A_841 = arith.minimumf %sub3A_816, %sub3A_824 : vector<4096x128xf32>
    %lt3A_842 = arith.cmpf olt, %sub3A_824, %sub3A_816 : vector<4096x128xf32>
    %jit3A_843 = arith.constant 5.700000e+01 : f32
    %jit3A_844 = arith.constant 5.600000e+01 : f32
    %broadcast_in_dim3A_845 = vector.broadcast %jit3A_843 : f32 to vector<4096x128xf32>
    %broadcast_in_dim3A_846 = vector.broadcast %jit3A_844 : f32 to vector<4096x128xf32>
    %select_n3A_847 = arith.select %lt3A_842, %broadcast_in_dim3A_845, %broadcast_in_dim3A_846 : vector<4096x128xi1>, vector<4096x128xf32>
    %min3A_848 = arith.minimumf %sub3A_832, %sub3A_840 : vector<4096x128xf32>
    %lt3A_849 = arith.cmpf olt, %sub3A_840, %sub3A_832 : vector<4096x128xf32>
    %jit3A_850 = arith.constant 5.900000e+01 : f32
    %jit3A_851 = arith.constant 5.800000e+01 : f32
    %broadcast_in_dim3A_852 = vector.broadcast %jit3A_850 : f32 to vector<4096x128xf32>
    %broadcast_in_dim3A_853 = vector.broadcast %jit3A_851 : f32 to vector<4096x128xf32>
    %select_n3A_854 = arith.select %lt3A_849, %broadcast_in_dim3A_852, %broadcast_in_dim3A_853 : vector<4096x128xi1>, vector<4096x128xf32>
    %min3A_855 = arith.minimumf %min3A_841, %min3A_848 : vector<4096x128xf32>
    %lt3A_856 = arith.cmpf olt, %min3A_848, %min3A_841 : vector<4096x128xf32>
    %select_n3A_857 = arith.select %lt3A_856, %select_n3A_854, %select_n3A_847 : vector<4096x128xi1>, vector<4096x128xf32>
    %lt3A_858 = arith.cmpf olt, %min3A_855, %select_n3A_802 : vector<4096x128xf32>
    %select_n3A_859 = arith.select %lt3A_858, %min3A_855, %select_n3A_802 : vector<4096x128xi1>, vector<4096x128xf32>
    %select_n3A_860 = arith.select %lt3A_858, %select_n3A_857, %select_n3A_803 : vector<4096x128xi1>, vector<4096x128xf32>
    %get3A_861 = arith.constant 0 : index
    %get3A_862 = arith.constant 7680 : index
    %get3A_863 = vector.load %arg4[%get3A_861, %get3A_862] : memref<1x8192xf32, #tpu.memory_space<vmem>>, vector<1x128xf32>
    %add3A_864 = vector.broadcast %get3A_4 : vector<4096x1xf32> to vector<4096x128xf32>
    %add3A_865 = vector.broadcast %get3A_863 : vector<1x128xf32> to vector<4096x128xf32>
    %add3A_866 = arith.addf %add3A_864, %add3A_865 : vector<4096x128xf32>
    %slice3A_867 = vector.extract_strided_slice %dot_general3A_808 {offsets = [0, 512], sizes = [4096, 128], strides = [1, 1]} : vector<4096x1024xf32> to vector<4096x128xf32>
    %sub3A_868 = arith.subf %add3A_866, %slice3A_867 : vector<4096x128xf32>
    %get3A_869 = arith.constant 0 : index
    %get3A_870 = arith.constant 7808 : index
    %get3A_871 = vector.load %arg4[%get3A_869, %get3A_870] : memref<1x8192xf32, #tpu.memory_space<vmem>>, vector<1x128xf32>
    %add3A_872 = vector.broadcast %get3A_4 : vector<4096x1xf32> to vector<4096x128xf32>
    %add3A_873 = vector.broadcast %get3A_871 : vector<1x128xf32> to vector<4096x128xf32>
    %add3A_874 = arith.addf %add3A_872, %add3A_873 : vector<4096x128xf32>
    %slice3A_875 = vector.extract_strided_slice %dot_general3A_808 {offsets = [0, 640], sizes = [4096, 128], strides = [1, 1]} : vector<4096x1024xf32> to vector<4096x128xf32>
    %sub3A_876 = arith.subf %add3A_874, %slice3A_875 : vector<4096x128xf32>
    %get3A_877 = arith.constant 0 : index
    %get3A_878 = arith.constant 7936 : index
    %get3A_879 = vector.load %arg4[%get3A_877, %get3A_878] : memref<1x8192xf32, #tpu.memory_space<vmem>>, vector<1x128xf32>
    %add3A_880 = vector.broadcast %get3A_4 : vector<4096x1xf32> to vector<4096x128xf32>
    %add3A_881 = vector.broadcast %get3A_879 : vector<1x128xf32> to vector<4096x128xf32>
    %add3A_882 = arith.addf %add3A_880, %add3A_881 : vector<4096x128xf32>
    %slice3A_883 = vector.extract_strided_slice %dot_general3A_808 {offsets = [0, 768], sizes = [4096, 128], strides = [1, 1]} : vector<4096x1024xf32> to vector<4096x128xf32>
    %sub3A_884 = arith.subf %add3A_882, %slice3A_883 : vector<4096x128xf32>
    %get3A_885 = arith.constant 0 : index
    %get3A_886 = arith.constant 8064 : index
    %get3A_887 = vector.load %arg4[%get3A_885, %get3A_886] : memref<1x8192xf32, #tpu.memory_space<vmem>>, vector<1x128xf32>
    %add3A_888 = vector.broadcast %get3A_4 : vector<4096x1xf32> to vector<4096x128xf32>
    %add3A_889 = vector.broadcast %get3A_887 : vector<1x128xf32> to vector<4096x128xf32>
    %add3A_890 = arith.addf %add3A_888, %add3A_889 : vector<4096x128xf32>
    %slice3A_891 = vector.extract_strided_slice %dot_general3A_808 {offsets = [0, 896], sizes = [4096, 128], strides = [1, 1]} : vector<4096x1024xf32> to vector<4096x128xf32>
    %sub3A_892 = arith.subf %add3A_890, %slice3A_891 : vector<4096x128xf32>
    %min3A_893 = arith.minimumf %sub3A_868, %sub3A_876 : vector<4096x128xf32>
    %lt3A_894 = arith.cmpf olt, %sub3A_876, %sub3A_868 : vector<4096x128xf32>
    %jit3A_895 = arith.constant 6.100000e+01 : f32
    %jit3A_896 = arith.constant 6.000000e+01 : f32
    %broadcast_in_dim3A_897 = vector.broadcast %jit3A_895 : f32 to vector<4096x128xf32>
    %broadcast_in_dim3A_898 = vector.broadcast %jit3A_896 : f32 to vector<4096x128xf32>
    %select_n3A_899 = arith.select %lt3A_894, %broadcast_in_dim3A_897, %broadcast_in_dim3A_898 : vector<4096x128xi1>, vector<4096x128xf32>
    %min3A_900 = arith.minimumf %sub3A_884, %sub3A_892 : vector<4096x128xf32>
    %lt3A_901 = arith.cmpf olt, %sub3A_892, %sub3A_884 : vector<4096x128xf32>
    %jit3A_902 = arith.constant 6.300000e+01 : f32
    %jit3A_903 = arith.constant 6.200000e+01 : f32
    %broadcast_in_dim3A_904 = vector.broadcast %jit3A_902 : f32 to vector<4096x128xf32>
    %broadcast_in_dim3A_905 = vector.broadcast %jit3A_903 : f32 to vector<4096x128xf32>
    %select_n3A_906 = arith.select %lt3A_901, %broadcast_in_dim3A_904, %broadcast_in_dim3A_905 : vector<4096x128xi1>, vector<4096x128xf32>
    %min3A_907 = arith.minimumf %min3A_893, %min3A_900 : vector<4096x128xf32>
    %lt3A_908 = arith.cmpf olt, %min3A_900, %min3A_893 : vector<4096x128xf32>
    %select_n3A_909 = arith.select %lt3A_908, %select_n3A_906, %select_n3A_899 : vector<4096x128xi1>, vector<4096x128xf32>
    %lt3A_910 = arith.cmpf olt, %min3A_907, %select_n3A_859 : vector<4096x128xf32>
    %select_n3A_911 = arith.select %lt3A_910, %min3A_907, %select_n3A_859 : vector<4096x128xi1>, vector<4096x128xf32>
    %select_n3A_912 = arith.select %lt3A_910, %select_n3A_909, %select_n3A_860 : vector<4096x128xi1>, vector<4096x128xf32>
    %reduce_min3A_913 = arith.constant dense<0x7F800000> : vector<4096xf32>
    %reduce_min3A_914 = vector.multi_reduction <minimumf>, %select_n3A_911, %reduce_min3A_913 [1] : vector<4096x128xf32> to vector<4096xf32>
    %broadcast_in_dim3A_915 = vector.shape_cast %reduce_min3A_914 : vector<4096xf32> to vector<4096x1xf32>
    %mul3A_916 = arith.constant 1.280000e+02 : f32
    %mul3A_917 = vector.broadcast %mul3A_916 : f32 to vector<4096x128xf32>
    %mul3A_918 = arith.mulf %select_n3A_912, %mul3A_917 : vector<4096x128xf32>
    %add3A_919 = arith.addf %mul3A_918, %convert_element_type3A : vector<4096x128xf32>
    %eq3A_920 = vector.broadcast %broadcast_in_dim3A_915 : vector<4096x1xf32> to vector<4096x128xf32>
    %eq3A_921 = arith.cmpf oeq, %select_n3A_911, %eq3A_920 : vector<4096x128xf32>
    %jit3A_922 = arith.constant 1.000000e+09 : f32
    %broadcast_in_dim3A_923 = vector.broadcast %jit3A_922 : f32 to vector<4096x128xf32>
    %select_n3A_924 = arith.select %eq3A_921, %add3A_919, %broadcast_in_dim3A_923 : vector<4096x128xi1>, vector<4096x128xf32>
    %reduce_min3A_925 = arith.constant dense<0x7F800000> : vector<4096xf32>
    %reduce_min3A_926 = vector.multi_reduction <minimumf>, %select_n3A_924, %reduce_min3A_925 [1] : vector<4096x128xf32> to vector<4096xf32>
    %broadcast_in_dim3A_927 = vector.shape_cast %reduce_min3A_926 : vector<4096xf32> to vector<4096x1xf32>
    %lt3A_928 = arith.cmpf olt, %broadcast_in_dim3A_915, %convert_element_type3A_642 : vector<4096x1xf32>
    %select_n3A_929 = arith.select %lt3A_928, %broadcast_in_dim3A_927, %select_n3A_639 : vector<4096x1xi1>, vector<4096x1xf32>
    %convert_element_type3A_930 = arith.fptosi %select_n3A_929 : vector<4096x1xf32> to vector<4096x1xi32>
    %swap3A = arith.constant 0 : index
    %swap3A_931 = arith.constant 0 : index
    %swap3A_932 = vector.load %arg5[%swap3A, %swap3A_931] : memref<4096x1xi32, #tpu.memory_space<vmem>>, vector<4096x1xi32>
    tpu.vector_store %arg5[%swap3A, %swap3A_931], %convert_element_type3A_930 {strides = array<i32>} : memref<4096x1xi32, #tpu.memory_space<vmem>>, vector<4096x1xi32>,
    return
  }
  func.func @transform_0(%arg0: i32) -> (i32, i32) {
    %c0_i32 = arith.constant 0 : i32
    %c0_i32_0 = arith.constant 0 : i32
    return %arg0, %c0_i32 : i32, i32
  }
  func.func @transform_1(%arg0: i32) -> (i32, i32) {
    %c0_i32 = arith.constant 0 : i32
    %c0_i32_0 = arith.constant 0 : i32
    %c0_i32_1 = arith.constant 0 : i32
    return %c0_i32, %c0_i32_0 : i32, i32
  }
  func.func @transform_2(%arg0: i32) -> (i32, i32) {
    %c0_i32 = arith.constant 0 : i32
    %c0_i32_0 = arith.constant 0 : i32
    return %arg0, %c0_i32 : i32, i32
  }
  func.func @transform_3(%arg0: i32) -> (i32, i32) {
    %c0_i32 = arith.constant 0 : i32
    %c0_i32_0 = arith.constant 0 : i32
    %c0_i32_1 = arith.constant 0 : i32
    return %c0_i32, %c0_i32_0 : i32, i32
  }
  func.func @transform_4(%arg0: i32) -> (i32, i32) {
    %c0_i32 = arith.constant 0 : i32
    %c0_i32_0 = arith.constant 0 : i32
    return %arg0, %c0_i32 : i32, i32
  }
}

</mosaic_0001>

<sc_bundles>
// kernel: kernel.4.cloned.1.call-start
scs
__scs_entry_jumppad:
0x0: {  	(pc) =	sbr.rel $0x88, $3  }
0x1: {  	(tag) =	ssettag $0x0;
	lr =	simm.s32 $0x1  }
0x2: {  	[smem:$0x3F9F] =	sst lr;
	_ =	strace $0xD0000000  }
0x3: {  	_ = 	snop  }
0x4: {  	_ = 	snop  }
0x5: {  	_ = 	snop  }
0x6: {  	_ = 	snop  }
0x7: {  	_ = 	snop  }
__scs_overlays_trampoline_lowered:
0x8: {  	[smem:$0x3FAE] =	sst s0  }
0x9: {  	[smem:$0x3FAF] =	sst s1  }
0xa: {  	[smem:$0x3FB0] =	sst s2  }
0xb: {  	[smem:$0x3FB1] =	sst s3  }
0xc: {  	[smem:$0x3FB2] =	sst s4  }
0xd: {  	[smem:$0x3FB3] =	sst s5  }
0xe: {  	[smem:$0x3FB4] =	sst s6  }
0xf: {  	[smem:$0x3FB5] =	sst s7  }
0x10: {  	[smem:$0x3FB6] =	sst s8  }
0x11: {  	[smem:$0x3FB7] =	sst s9;
	s0 =	simm.s32 @!p0 $0x0  }
0x12: {  	s1 =	sld [smem:$0x3F9D];
	s0 =	simm.s32 @p0 $0x1  }
0x13: {  	[smem:$0x3FB8] =	sst s0;
	s0 =	simm.s32 @!p1 $0x0  }
0x14: {  	s2 =	sld [smem:$0x3F9C];
	s0 =	simm.s32 @p1 $0x1  }
0x15: {  	[smem:$0x3FB9] =	sst s0;
	s0 =	simm.s32 @!p2 $0x0  }
0x16: {  	s3 =	sld [smem:$0x3FDB];
	s0 =	simm.s32 @p2 $0x1  }
0x17: {  	s4 =	simm.s32 $0x1BF5;
	[smem:$0x3FBB] =	sst s0  }
0x18: {  	s0 =	sld [smem:$0x3F9E];
	_ =	swait.ge [sflag:s4], $0x0  }
0x19: {  	s7 =	sld [smem:$0x3F9F]  }
0x1a: {  	s8 =	sadd.s32 $0xFFFFE003, lr  }
0x1b: {  	s9 =	sadd.s32 $0xFFFFFEF7, lr;
	s5 =	simm.s32 $0xFFFFFFFF;
	p2 =	slt.u32 s8, $0xFFFFF086  }
0x1c: {  	p1 =	slt.u32 s9, $0xF7A;
	s5 =	simm.s32 @!p2 $0x0  }
0x1d: {  	s5 =	simm.s32 @p1 $0x1;
	p0 =	seq.s32 s7, s2  }
0x1e: {  	s7 =	smul.u32 @!p0 $0xF7A, s2;
	p2 =	seq.s32 @!p0 s5, $0x0  }
0x1f: {  	s9 =	smul.u32 $0xF7A, s1;
	s8 =	simm.s32 @!p0 $0x1BF5;
	p2 =	por !p2, p0  }
0x20: {  	[sflag:s8] =	ssyncset.s32 @!p0 $0xFFFFF086;
	s6 =	sadd.s32 @!p0 s3, s7;
	s7 =	simm.s32 @!p0 $0x108  }
0x21: {  	s3 =	sadd.s32 s3, s9;
	s6 =	sadd.s32 @!p0 $0x88, s6;
	s7 =	simm.s32 @p2 $0x1082  }
0x22: {  	[simem:s7], [sflag:s8] =	dma.local @!p0 [hbm:s6], $0xF7A  }
0x23: {  	s9 =	sor.u32 $0xD0000000, s2;
	s6 =	simm.s32 $0x108;
	_ =	swait.ge @!p0 [sflag:s8], $0x0  }
0x24: {  	s3 =	sadd.s32 $0x88, s3;
	s6 =	simm.s32 @!p1 $0x1082;
	[sflag:s4] =	ssyncset.s32 $0xFFFFF086  }
0x25: {  	[simem:s6], [sflag:s4] =	dma.local [hbm:s3], $0xF7A  }
0x26: {  	[smem:$0x3F9F] =	sst s1;
	(tag) =	ssettag s2;
	_ =	strace s9  }
0x27: {  	s1 =	sld [smem:$0x3FAF]  }
0x28: {  	s2 =	sld [smem:$0x3FB0]  }
0x29: {  	s4 =	sld [smem:$0x3FB2]  }
0x2a: {  	p0 =	seq.s32 s5, $0x0;
	s5 =	sld [smem:$0x3FB3]  }
0x2b: {  	s6 =	sld [smem:$0x3FB4]  }
0x2c: {  	s7 =	sld [smem:$0x3FB5]  }
0x2d: {  	s3 =	simm.s32 $0x108;
	s8 =	sld [smem:$0x3FB6]  }
0x2e: {  	s3 =	simm.s32 @!p0 $0x1082;
	s9 =	sld [smem:$0x3FB7]  }
0x2f: {  	lr =	sadd.s32 s0, s3;
	s0 =	sld [smem:$0x3FAE]  }
0x30: {  	s3 =	sld [smem:$0x3FB1]  }
0x31: {  	[smem:$0x3FBA] =	sst s10  }
0x32: {  	s10 =	sld [smem:$0x3FB8];
	_ =	sdelay $0x3  }
0x33: {  	p0 =	seq.s32 s10, $0x1;
	s10 =	sld [smem:$0x3FBA];
	_ =	sdelay $0x3  }
0x34: {  	[smem:$0x3FBA] =	sst s10  }
0x35: {  	s10 =	sld [smem:$0x3FB9];
	_ =	sdelay $0x3  }
0x36: {  	p1 =	seq.s32 s10, $0x1;
	s10 =	sld [smem:$0x3FBA];
	_ =	sdelay $0x3  }
0x37: {  	[smem:$0x3FBA] =	sst s10  }
0x38: {  	s10 =	sld [smem:$0x3FBB]  }
0x39: {  	_ = 	snop;
	(pc) =	sbr.ind lr, $3  }
0x3a: {  	_ = 	snop  }
0x3b: {  	_ = 	snop  }
0x3c: {  	p2 =	seq.s32 s10, $0x1;
	s10 =	sld [smem:$0x3FBA]  }
0x3d: {  	_ =	shalt  }
0x3e: {  	_ =	shalt  }
0x3f: {  	_ =	shalt  }
0x40: {  	_ =	shalt  }
0x41: {  	_ =	shalt  }
0x42: {  	_ =	shalt  }
0x43: {  	_ =	shalt  }
0x44: {  	_ =	shalt  }
0x45: {  	_ =	shalt  }
0x46: {  	_ =	shalt  }
0x47: {  	_ =	shalt  }
0x48: {  	_ =	shalt  }
0x49: {  	_ =	shalt  }
0x4a: {  	_ =	shalt  }
0x4b: {  	_ =	shalt  }
0x4c: {  	_ =	shalt  }
0x4d: {  	_ =	shalt  }
0x4e: {  	_ =	shalt  }
0x4f: {  	_ =	shalt  }
0x50: {  	_ =	shalt  }
0x51: {  	_ =	shalt  }
0x52: {  	_ =	shalt  }
0x53: {  	_ =	shalt  }
0x54: {  	_ =	shalt  }
0x55: {  	_ =	shalt  }
0x56: {  	_ =	shalt  }
0x57: {  	_ =	shalt  }
0x58: {  	_ =	shalt  }
0x59: {  	_ =	shalt  }
0x5a: {  	_ =	shalt  }
0x5b: {  	_ =	shalt  }
0x5c: {  	_ =	shalt  }
0x5d: {  	_ =	shalt  }
0x5e: {  	_ =	shalt  }
0x5f: {  	_ =	shalt  }
0x60: {  	_ =	shalt  }
0x61: {  	_ =	shalt  }
0x62: {  	_ =	shalt  }
0x63: {  	_ =	shalt  }
0x64: {  	_ =	shalt  }
0x65: {  	_ =	shalt  }
0x66: {  	_ =	shalt  }
0x67: {  	_ =	shalt  }
0x68: {  	_ =	shalt  }
0x69: {  	_ =	shalt  }
0x6a: {  	_ =	shalt  }
0x6b: {  	_ =	shalt  }
0x6c: {  	_ =	shalt  }
0x6d: {  	_ =	shalt  }
0x6e: {  	_ =	shalt  }
0x6f: {  	_ =	shalt  }
0x70: {  	_ =	shalt  }
0x71: {  	_ =	shalt  }
0x72: {  	_ =	shalt  }
0x73: {  	_ =	shalt  }
0x74: {  	_ =	shalt  }
0x75: {  	_ =	shalt  }
0x76: {  	_ =	shalt  }
0x77: {  	_ =	shalt  }
0x78: {  	_ =	shalt  }
0x79: {  	_ =	shalt  }
0x7a: {  	_ =	shalt  }
0x7b: {  	_ =	shalt  }
0x7c: {  	_ =	shalt  }
0x7d: {  	_ =	shalt  }
0x7e: {  	_ =	shalt  }
0x7f: {  	_ =	shalt  }
0x80: {  	_ =	shalt  }
0x81: {  	_ =	shalt  }
0x82: {  	_ =	shalt  }
0x83: {  	_ =	shalt  }
0x84: {  	_ =	shalt  }
0x85: {  	_ =	shalt  }
0x86: {  	_ =	shalt  }
0x87: {  	_ =	shalt  }
.Lfunc_end0:
.L_simem_size_0:
called_computation_lowered:
.L_overlay_start_0:
0x88: {  	s2 =	sld [smem:$0x3FD9]  }
0x89: {  	s3 =	sld [smem:$0x3FFE];
	_ =	sdelay $0x1  }
0x8a: {  	s1 =	srdreg.scid  }
0x8b: {  	s0 =	sand.u32 $0x1, s1  }
0x8c: {  	s17 =	sshll.u32 s0, $0xA;
	s2 =	sadd.s32 s3, s2  }
0x8d: {  	s2 =	sadd.s32 s2, s17  }
0x8e: {  	[smem:$0x3FC6] =	sst s2  }
0x8f: {  	_ = 	snop  }
0x90: {  	s2 =	sld [smem:$0x3FC8]  }
0x91: {  	s18 =	sld [smem:$0x3FD0];
	(tm) =	ssettm $0x1  }
0x92: {  	s4 =	sld [smem:$0x3FFB];
	_ =	sdelay $0x3  }
0x93: {  	_ =	strace s4  }
0x94: {  	s4 =	sld [smem:$0x3FFC];
	_ =	sdelay $0x3  }
0x95: {  	_ =	strace s4  }
0x96: {  	s4 =	sld [smem:$0x3FFD];
	_ =	sdelay $0x3  }
0x97: {  	_ =	strace s4  }
0x98: {  	_ =	strace $0x8FFFFFFF  }
0x99: {  	s19 =	sld [smem:$0x3FDB];
	_ =	sdelay $0x1  }
0x9a: {  	s5 =	simm.s32 $_scs_section_size  }
0x9b: {  	s6 =	simm.s32 $_size__tile_overlayer_lowered;
	s7 =	simm.s32 $_tile_overlayer_lowered  }
0x9c: {  	s22 =	simm.s32 $0x1BFF;
	s21 =	sshll.u32 s7, $0x1;
	s4 =	sadd.s32 s5, s19  }
0x9d: {  	s8 =	simm.s32 $0x0;
	s20 =	sshll.u32 s6, $0x1;
	s6 =	sadd.s32 s21, s4  }
0x9e: {  	[timem:s8], [sflag:s22] =	dma.local [hbm:s6], s20  }
0x9f: {  	_ =	swait.ge [sflag:s22], s20  }
0xa0: {  	s5 =	ssub.s32 $0x0, s20;
	[sflag:s22] =	ssyncset.done $0x0  }
0xa1: {  	[sflag:s22] =	ssyncadd.s32 s5;
	_ =	sdelay $0x1  }
0xa2: {  	s23 =	simm.s32 $0x1B8B  }
0xa3: {  	_ =	swait.ge [sflag:s23], $0x1  }
0xa4: {  	[sflag:s23] =	ssyncset.done $0x0  }
0xa5: {  	s25 =	simm.s32 $0x1B8E;
	s24 =	sld [smem:$0x3FFE];
	[sflag:s23] =	ssyncadd.s32 $0xFFFFFFFF  }
0xa6: {  	s26 =	simm.s32 $execute0_lowered;
	[smem:$0x3FD2] =	sst s25  }
0xa7: {  	s6 =	sshll.u32 s26, $0x1;
	_ =	strace $0x80000046;
	[dreg:$0x1] =	wrdreg $0xFFFFFFFF  }
0xa8: {  	s28 =	simm.s32 $_size_execute0_lowered;
	s4 =	sadd.s32 s4, s6;
	[dreg:$0x0] =	wrdreg $0x0  }
0xa9: {  	s6 =	sshll.u32 s28, $0x1;
	[dreg:$0x2] =	wrdreg s4  }
0xaa: {  	[dreg:$0x3] =	wrdreg s6  }
0xab: {  	[dreg:$0x4] =	wrdreg $0xC0  }
0xac: {  	_ =	task [dreg:s8], $0x5FFFF  }
0xad: {  	[dreg:$0x1] =	wrdreg $0xFFFFFFFF  }
0xae: {  	[dreg:$0x0] =	wrdreg $0x60  }
0xaf: {  	[dreg:$0x2] =	wrdreg s24  }
0xb0: {  	[dreg:$0x3] =	wrdreg s2  }
0xb1: {  	[dreg:$0x4] =	wrdreg s18  }
0xb2: {  	[dreg:$0x5] =	wrdreg $0x9  }
0xb3: {  	_ =	task.clear_ibuf [dreg:s8], $0x6FFFF;
	_ =	strace $0x90000046  }
0xb4: {  	s29 =	simm.s32 $0x9;
	_ =	strace $0x80000048  }
0xb5: {  	_ =	swait.ge [sflag:s29], $0x1  }
0xb6: {  	[sflag:s29] =	ssyncadd.s32 $0xFFFFFFFF  }
0xb7: {  	_ =	strace $0x90000048  }
0xb8: {  	_ =	sfence  }
0xb9: {  	s30 =	sld [smem:$0x0];
	_ =	sdelay $0x2  }
0xba: {  	s31 =	sshll.u32 s1, $0xD;
	s1 =	sshrl.u32 s1, $0x2  }
0xbb: {  	s3 =	sand.u32 $0x4000, s31;
	s1 =	sadd.s32 s1, s30  }
0xbc: {  	s0 =	sor.u32 s3, s0;
	s1 =	sshll.u32 s1, $0x11  }
0xbd: {  	s0 =	sor.u32 s1, s0  }
0xbe: {  	s0 =	sadd.s32 $0x8F2B, s0  }
0xbf: {  	[sflag:s0] =	ssyncadd.remote.s32 $0x1  }
0xc0: {  	_ =	sfence.sel $0xFFFF  }
0xc1: {  	[dreg:$0x0] =	wrdreg $0xFFFFFFFF;
	(pc) =	sbr.abs _section_cstart, $3  }
0xc2: {  	[dreg:$0x1] =	wrdreg $0xFFFFFFFF  }
0xc3: {  	_ =	task.clear_ibuf [dreg:s8], $0x2FFFF;
	_ =	strace $0x9FFFFFFF  }
0xc4: {  	(tm) =	ssettm $0x7FFFFFFF  }
0xc5: {  	_ =	shalt  }
tec
execute0_lowered:
.L_overlay_start_1:
0x0: {  	(tag) =	ssettag $0x1  }
0x1: {  	s10 =	rddreg [dreg:$0x0]  }
0x2: {  	s1 =	rddreg [dreg:$0x1]  }
0x3: {  	s11 =	rddreg [dreg:$0x2]  }
0x4: {  	s0 =	rddreg [dreg:$0x3];
	s3 =	simm.s32 $0x0;
	s4 =	srdreg.scid  }
0x5: {  	s2 =	stileid.u32;
	s15 =	simm.s32 $0x880;
	s16 =	simm.s32 $0x1080  }
0x6: {  	s17 =	simm.s32 $0x1880;
	s18 =	simm.s32 $0x2080;
	s19 =	simm.s32 $0x2880  }
0x7: {  	s20 =	simm.s32 $0x3080;
	s21 =	simm.s32 $0x3880;
	s22 =	simm.s32 $0x4080  }
0x8: {  	s28 =	simm.s32 $0x6880;
	s29 =	simm.s32 $0x7080;
	s30 =	simm.s32 $0x7880  }
0x9: {  	s31 =	simm.s32 $0x1;
	[smem:$0x7FF] =	sst s3;
	s4 =	sand.u32 $0x1, s4  }
0xa: {  	s6 =	sshll.u32 s2, $0xA;
	s5 =	ssub.s32 $0x2, s4;
	s4 =	sshll.u32 s4, $0x9  }
0xb: {  	_ =	strace $0x80000047;
	s7 =	sshrl.u32 s5, $0x1;
	s9 =	sor.u32 s4, s6  }
0xc: {  	s12 =	ssub.s32 s5, s7;
	s4 =	sshrl.u32 s9, $0x3;
	s23 =	sshll.u32 s9, $0x5  }
0xd: {  	s6 =	sor.u32 $0x80, s9;
	s13 =	sor.u32 $0x100, s9;
	s14 =	sor.u32 $0x180, s9  }
0xe: {  	s4 =	sadd.s32 s10, s4;
	s5 =	sadd.s32 s11, s23;
	s24 =	sshrl.u32 s6, $0x3  }
0xf: {  	s8 =	sshll.u32 s6, $0x5;
	s25 =	sshrl.u32 s13, $0x3;
	s13 =	sshll.u32 s13, $0x5  }
0x10: {  	s26 =	sshrl.u32 s14, $0x3;
	s14 =	sshll.u32 s14, $0x5;
	s12 =	smax.u32 s12, $0x1  }
0x11: {  	s23 =	simm.s32 $0x4880;
	s6 =	sadd.s32 s10, s24;
	s7 =	sadd.s32 s11, s8  }
0x12: {  	v2 =	vlaneseq.u32;
	s8 =	sadd.s32 s10, s25;
	s9 =	sadd.s32 s11, s13;
	s10 =	sadd.s32 s10, s26  }
0x13: {  	vm0 =	vmmov $0xffff;
	v1 =	vshrl.u32 v2, $0x3;
	s11 =	sadd.s32 s11, s14;
	s13 =	simm.s32 $0x2;
	s14 =	simm.s32 $0x80  }
0x14: {  	v0 =	vand.u32 $0x7, v2;
	v2 =	vor.u32 $0x8, v2;
	v1 =	vmul.u32 $0x8, v1;
	s24 =	simm.s32 $0x5080;
	s25 =	simm.s32 $0x5880;
	s26 =	simm.s32 $0x6080  }
.LBB2_1:
0x15: {  	[tilespmem:s3], [sflag:$0x2] =	stream.linear.gather [hbm4b:s4+s3], $0x80, $0x38;
	[tilespmem:$0x8080] =	vst v63  }
0x16: {  	_ =	swait.ge [sflag:s13], $0x80  }
0x17: {  	[sflag:s13] =	ssyncset.done $0x0  }
0x18: {  	[sflag:s13] =	ssyncadd.s32 $0xFFFFFF80  }
0x19: {  	v3 =	vld [tilespmem:$0x0];
	_ =	sdelay $0x4  }
0x1a: {  	v4 =	vshll.u32 v3, $0x1  }
0x1b: {  	v3 =	vand.u32 $0x7, v3;
	v4 =	vand.u32 $0xFFFFFFF0, v4  }
0x1c: {  	v3 =	vor.u32 v3, v4  }
0x1d: {  	v4 =	vperm.xlane v3, v0;
	_ =	sdelay $0x1  }
0x1e: {  	v3 =	vperm.xlane v3, v2;
	v4 =	vadd.s32 v1, v4;
	_ =	sdelay $0x1  }
0x1f: {  	v3 =	vadd.s32 v1, v3;
	_ =	sdelay $0x2  }
0x20: {  	[tilespmem:s14], [sflag:$0x1] =	stream.indirect_vreg.gather [hbm4b:s1+s3], $0x80, v4, vm0, $0xb8;
	[tilespmem:$0x8080] =	vst v63  }
0x21: {  	_ = 	snop  }
0x22: {  	[tilespmem:s15], [sflag:$0x1] =	stream.indirect_vreg.gather [hbm4b:s1+s3], $0x80, v3, vm0, $0xb8;
	[tilespmem:$0x8080] =	vst v63  }
0x23: {  	v3 =	vld [tilespmem:$0x10];
	_ =	sdelay $0x4  }
0x24: {  	v33 =	vshll.u32 v3, $0x1  }
0x25: {  	v3 =	vand.u32 $0x7, v3;
	v4 =	vand.u32 $0xFFFFFFF0, v33  }
0x26: {  	v3 =	vor.u32 v3, v4  }
0x27: {  	v4 =	vperm.xlane v3, v0;
	_ =	sdelay $0x1  }
0x28: {  	v3 =	vperm.xlane v3, v2;
	v4 =	vadd.s32 v1, v4;
	_ =	sdelay $0x1  }
0x29: {  	v3 =	vadd.s32 v1, v3;
	_ =	sdelay $0x2  }
0x2a: {  	[tilespmem:s16], [sflag:$0x1] =	stream.indirect_vreg.gather [hbm4b:s1+s3], $0x80, v4, vm0, $0xb8;
	[tilespmem:$0x8080] =	vst v63  }
0x2b: {  	_ = 	snop  }
0x2c: {  	[tilespmem:s17], [sflag:$0x1] =	stream.indirect_vreg.gather [hbm4b:s1+s3], $0x80, v3, vm0, $0xb8;
	[tilespmem:$0x8080] =	vst v63  }
0x2d: {  	v3 =	vld [tilespmem:$0x20];
	_ =	sdelay $0x4  }
0x2e: {  	v34 =	vshll.u32 v3, $0x1  }
0x2f: {  	v3 =	vand.u32 $0x7, v3;
	v4 =	vand.u32 $0xFFFFFFF0, v34  }
0x30: {  	v3 =	vor.u32 v3, v4  }
0x31: {  	v4 =	vperm.xlane v3, v0;
	_ =	sdelay $0x1  }
0x32: {  	v3 =	vperm.xlane v3, v2;
	v4 =	vadd.s32 v1, v4;
	_ =	sdelay $0x1  }
0x33: {  	v3 =	vadd.s32 v1, v3;
	_ =	sdelay $0x2  }
0x34: {  	[tilespmem:s18], [sflag:$0x1] =	stream.indirect_vreg.gather [hbm4b:s1+s3], $0x80, v4, vm0, $0xb8;
	[tilespmem:$0x8080] =	vst v63  }
0x35: {  	_ = 	snop  }
0x36: {  	[tilespmem:s19], [sflag:$0x1] =	stream.indirect_vreg.gather [hbm4b:s1+s3], $0x80, v3, vm0, $0xb8;
	[tilespmem:$0x8080] =	vst v63  }
0x37: {  	v3 =	vld [tilespmem:$0x30];
	_ =	sdelay $0x4  }
0x38: {  	v35 =	vshll.u32 v3, $0x1  }
0x39: {  	v3 =	vand.u32 $0x7, v3;
	v4 =	vand.u32 $0xFFFFFFF0, v35  }
0x3a: {  	v3 =	vor.u32 v3, v4  }
0x3b: {  	v4 =	vperm.xlane v3, v0;
	_ =	sdelay $0x1  }
0x3c: {  	v3 =	vperm.xlane v3, v2;
	v4 =	vadd.s32 v1, v4;
	_ =	sdelay $0x1  }
0x3d: {  	v3 =	vadd.s32 v1, v3;
	_ =	sdelay $0x2  }
0x3e: {  	[tilespmem:s20], [sflag:$0x1] =	stream.indirect_vreg.gather [hbm4b:s1+s3], $0x80, v4, vm0, $0xb8;
	[tilespmem:$0x8080] =	vst v63  }
0x3f: {  	_ = 	snop  }
0x40: {  	[tilespmem:s21], [sflag:$0x1] =	stream.indirect_vreg.gather [hbm4b:s1+s3], $0x80, v3, vm0, $0xb8;
	[tilespmem:$0x8080] =	vst v63  }
0x41: {  	v3 =	vld [tilespmem:$0x40];
	_ =	sdelay $0x4  }
0x42: {  	v36 =	vshll.u32 v3, $0x1  }
0x43: {  	v3 =	vand.u32 $0x7, v3;
	v4 =	vand.u32 $0xFFFFFFF0, v36  }
0x44: {  	v3 =	vor.u32 v3, v4  }
0x45: {  	v4 =	vperm.xlane v3, v0;
	_ =	sdelay $0x1  }
0x46: {  	v3 =	vperm.xlane v3, v2;
	v4 =	vadd.s32 v1, v4;
	_ =	sdelay $0x1  }
0x47: {  	v3 =	vadd.s32 v1, v3;
	_ =	sdelay $0x2  }
0x48: {  	[tilespmem:s22], [sflag:$0x1] =	stream.indirect_vreg.gather [hbm4b:s1+s3], $0x80, v4, vm0, $0xb8;
	[tilespmem:$0x8080] =	vst v63  }
0x49: {  	_ = 	snop  }
0x4a: {  	[tilespmem:s23], [sflag:$0x1] =	stream.indirect_vreg.gather [hbm4b:s1+s3], $0x80, v3, vm0, $0xb8;
	[tilespmem:$0x8080] =	vst v63  }
0x4b: {  	v3 =	vld [tilespmem:$0x50];
	_ =	sdelay $0x4  }
0x4c: {  	v37 =	vshll.u32 v3, $0x1  }
0x4d: {  	v3 =	vand.u32 $0x7, v3;
	v4 =	vand.u32 $0xFFFFFFF0, v37  }
0x4e: {  	v3 =	vor.u32 v3, v4  }
0x4f: {  	v4 =	vperm.xlane v3, v0;
	_ =	sdelay $0x1  }
0x50: {  	v3 =	vperm.xlane v3, v2;
	v4 =	vadd.s32 v1, v4;
	_ =	sdelay $0x1  }
0x51: {  	v3 =	vadd.s32 v1, v3;
	_ =	sdelay $0x2  }
0x52: {  	[tilespmem:s24], [sflag:$0x1] =	stream.indirect_vreg.gather [hbm4b:s1+s3], $0x80, v4, vm0, $0xb8;
	[tilespmem:$0x8080] =	vst v63  }
0x53: {  	_ = 	snop  }
0x54: {  	[tilespmem:s25], [sflag:$0x1] =	stream.indirect_vreg.gather [hbm4b:s1+s3], $0x80, v3, vm0, $0xb8;
	[tilespmem:$0x8080] =	vst v63  }
0x55: {  	v3 =	vld [tilespmem:$0x60];
	_ =	sdelay $0x4  }
0x56: {  	v38 =	vshll.u32 v3, $0x1  }
0x57: {  	v3 =	vand.u32 $0x7, v3;
	v4 =	vand.u32 $0xFFFFFFF0, v38  }
0x58: {  	v3 =	vor.u32 v3, v4  }
0x59: {  	v4 =	vperm.xlane v3, v0;
	_ =	sdelay $0x1  }
0x5a: {  	v3 =	vperm.xlane v3, v2;
	v4 =	vadd.s32 v1, v4;
	_ =	sdelay $0x1  }
0x5b: {  	v3 =	vadd.s32 v1, v3;
	_ =	sdelay $0x2  }
0x5c: {  	[tilespmem:s26], [sflag:$0x1] =	stream.indirect_vreg.gather [hbm4b:s1+s3], $0x80, v4, vm0, $0xb8;
	[tilespmem:$0x8080] =	vst v63  }
0x5d: {  	_ = 	snop  }
0x5e: {  	[tilespmem:s28], [sflag:$0x1] =	stream.indirect_vreg.gather [hbm4b:s1+s3], $0x80, v3, vm0, $0xb8;
	[tilespmem:$0x8080] =	vst v63  }
0x5f: {  	v3 =	vld [tilespmem:$0x70];
	_ =	sdelay $0x4  }
0x60: {  	v39 =	vshll.u32 v3, $0x1  }
0x61: {  	v3 =	vand.u32 $0x7, v3;
	v4 =	vand.u32 $0xFFFFFFF0, v39  }
0x62: {  	v3 =	vor.u32 v3, v4  }
0x63: {  	v4 =	vperm.xlane v3, v0;
	_ =	sdelay $0x1  }
0x64: {  	v3 =	vperm.xlane v3, v2;
	v4 =	vadd.s32 v1, v4;
	_ =	sdelay $0x1  }
0x65: {  	v3 =	vadd.s32 v1, v3;
	_ =	sdelay $0x2  }
0x66: {  	[tilespmem:s29], [sflag:$0x1] =	stream.indirect_vreg.gather [hbm4b:s1+s3], $0x80, v4, vm0, $0xb8;
	[tilespmem:$0x8080] =	vst v63  }
0x67: {  	_ = 	snop  }
0x68: {  	[tilespmem:s30], [sflag:$0x1] =	stream.indirect_vreg.gather [hbm4b:s1+s3], $0x80, v3, vm0, $0xb8;
	[tilespmem:$0x8080] =	vst v63  }
0x69: {  	_ =	swait.ge [sflag:s31], $0x8000  }
0x6a: {  	[sflag:s31] =	ssyncset.done $0x0  }
0x6b: {  	[sflag:s31] =	ssyncadd.s32 $0xFFFF8000  }
0x6c: {  	[hbm4b:s5+s3] =	stream.linear.scatter [tilespmem:s14], [sflag:$0x2], $0x8000, $0x38;
	[tilespmem:$0x8080] =	vst v63  }
0x6d: {  	_ =	swait.ge [sflag:s13], $0x8000  }
0x6e: {  	[sflag:s13] =	ssyncset.done $0x0  }
0x6f: {  	[sflag:s13] =	ssyncadd.s32 $0xFFFF8000  }
0x70: {  	[tilespmem:s3], [sflag:$0x2] =	stream.linear.gather [hbm4b:s6+s3], $0x80, $0x38;
	[tilespmem:$0x8080] =	vst v63  }
0x71: {  	_ =	swait.ge [sflag:s13], $0x80  }
0x72: {  	[sflag:s13] =	ssyncset.done $0x0  }
0x73: {  	[sflag:s13] =	ssyncadd.s32 $0xFFFFFF80  }
0x74: {  	v3 =	vld [tilespmem:$0x0];
	_ =	sdelay $0x4  }
0x75: {  	v40 =	vshll.u32 v3, $0x1  }
0x76: {  	v3 =	vand.u32 $0x7, v3;
	v4 =	vand.u32 $0xFFFFFFF0, v40  }
0x77: {  	v3 =	vor.u32 v3, v4  }
0x78: {  	v4 =	vperm.xlane v3, v0;
	_ =	sdelay $0x1  }
0x79: {  	v3 =	vperm.xlane v3, v2;
	v4 =	vadd.s32 v1, v4;
	_ =	sdelay $0x1  }
0x7a: {  	v3 =	vadd.s32 v1, v3;
	_ =	sdelay $0x2  }
0x7b: {  	[tilespmem:s14], [sflag:$0x1] =	stream.indirect_vreg.gather [hbm4b:s1+s3], $0x80, v4, vm0, $0xb8;
	[tilespmem:$0x8080] =	vst v63  }
0x7c: {  	_ = 	snop  }
0x7d: {  	[tilespmem:s15], [sflag:$0x1] =	stream.indirect_vreg.gather [hbm4b:s1+s3], $0x80, v3, vm0, $0xb8;
	[tilespmem:$0x8080] =	vst v63  }
0x7e: {  	v3 =	vld [tilespmem:$0x10];
	_ =	sdelay $0x4  }
0x7f: {  	v41 =	vshll.u32 v3, $0x1  }
0x80: {  	v3 =	vand.u32 $0x7, v3;
	v4 =	vand.u32 $0xFFFFFFF0, v41  }
0x81: {  	v3 =	vor.u32 v3, v4  }
0x82: {  	v4 =	vperm.xlane v3, v0;
	_ =	sdelay $0x1  }
0x83: {  	v3 =	vperm.xlane v3, v2;
	v4 =	vadd.s32 v1, v4;
	_ =	sdelay $0x1  }
0x84: {  	v3 =	vadd.s32 v1, v3;
	_ =	sdelay $0x2  }
0x85: {  	[tilespmem:s16], [sflag:$0x1] =	stream.indirect_vreg.gather [hbm4b:s1+s3], $0x80, v4, vm0, $0xb8;
	[tilespmem:$0x8080] =	vst v63  }
0x86: {  	_ = 	snop  }
0x87: {  	[tilespmem:s17], [sflag:$0x1] =	stream.indirect_vreg.gather [hbm4b:s1+s3], $0x80, v3, vm0, $0xb8;
	[tilespmem:$0x8080] =	vst v63  }
0x88: {  	v3 =	vld [tilespmem:$0x20];
	_ =	sdelay $0x4  }
0x89: {  	v42 =	vshll.u32 v3, $0x1  }
0x8a: {  	v3 =	vand.u32 $0x7, v3;
	v4 =	vand.u32 $0xFFFFFFF0, v42  }
0x8b: {  	v3 =	vor.u32 v3, v4  }
0x8c: {  	v4 =	vperm.xlane v3, v0;
	_ =	sdelay $0x1  }
0x8d: {  	v3 =	vperm.xlane v3, v2;
	v4 =	vadd.s32 v1, v4;
	_ =	sdelay $0x1  }
0x8e: {  	v3 =	vadd.s32 v1, v3;
	_ =	sdelay $0x2  }
0x8f: {  	[tilespmem:s18], [sflag:$0x1] =	stream.indirect_vreg.gather [hbm4b:s1+s3], $0x80, v4, vm0, $0xb8;
	[tilespmem:$0x8080] =	vst v63  }
0x90: {  	_ = 	snop  }
0x91: {  	[tilespmem:s19], [sflag:$0x1] =	stream.indirect_vreg.gather [hbm4b:s1+s3], $0x80, v3, vm0, $0xb8;
	[tilespmem:$0x8080] =	vst v63  }
0x92: {  	v3 =	vld [tilespmem:$0x30];
	_ =	sdelay $0x4  }
0x93: {  	v43 =	vshll.u32 v3, $0x1  }
0x94: {  	v3 =	vand.u32 $0x7, v3;
	v4 =	vand.u32 $0xFFFFFFF0, v43  }
0x95: {  	v3 =	vor.u32 v3, v4  }
0x96: {  	v4 =	vperm.xlane v3, v0;
	_ =	sdelay $0x1  }
0x97: {  	v3 =	vperm.xlane v3, v2;
	v4 =	vadd.s32 v1, v4;
	_ =	sdelay $0x1  }
0x98: {  	v3 =	vadd.s32 v1, v3;
	_ =	sdelay $0x2  }
0x99: {  	[tilespmem:s20], [sflag:$0x1] =	stream.indirect_vreg.gather [hbm4b:s1+s3], $0x80, v4, vm0, $0xb8;
	[tilespmem:$0x8080] =	vst v63  }
0x9a: {  	_ = 	snop  }
0x9b: {  	[tilespmem:s21], [sflag:$0x1] =	stream.indirect_vreg.gather [hbm4b:s1+s3], $0x80, v3, vm0, $0xb8;
	[tilespmem:$0x8080] =	vst v63  }
0x9c: {  	v3 =	vld [tilespmem:$0x40];
	_ =	sdelay $0x4  }
0x9d: {  	v44 =	vshll.u32 v3, $0x1  }
0x9e: {  	v3 =	vand.u32 $0x7, v3;
	v4 =	vand.u32 $0xFFFFFFF0, v44  }
0x9f: {  	v3 =	vor.u32 v3, v4  }
0xa0: {  	v4 =	vperm.xlane v3, v0;
	_ =	sdelay $0x1  }
0xa1: {  	v3 =	vperm.xlane v3, v2;
	v4 =	vadd.s32 v1, v4;
	_ =	sdelay $0x1  }
0xa2: {  	v3 =	vadd.s32 v1, v3;
	_ =	sdelay $0x2  }
0xa3: {  	[tilespmem:s22], [sflag:$0x1] =	stream.indirect_vreg.gather [hbm4b:s1+s3], $0x80, v4, vm0, $0xb8;
	[tilespmem:$0x8080] =	vst v63  }
0xa4: {  	_ = 	snop  }
0xa5: {  	[tilespmem:s23], [sflag:$0x1] =	stream.indirect_vreg.gather [hbm4b:s1+s3], $0x80, v3, vm0, $0xb8;
	[tilespmem:$0x8080] =	vst v63  }
0xa6: {  	v3 =	vld [tilespmem:$0x50];
	_ =	sdelay $0x4  }
0xa7: {  	v45 =	vshll.u32 v3, $0x1  }
0xa8: {  	v3 =	vand.u32 $0x7, v3;
	v4 =	vand.u32 $0xFFFFFFF0, v45  }
0xa9: {  	v3 =	vor.u32 v3, v4  }
0xaa: {  	v4 =	vperm.xlane v3, v0;
	_ =	sdelay $0x1  }
0xab: {  	v3 =	vperm.xlane v3, v2;
	v4 =	vadd.s32 v1, v4;
	_ =	sdelay $0x1  }
0xac: {  	v3 =	vadd.s32 v1, v3;
	_ =	sdelay $0x2  }
0xad: {  	[tilespmem:s24], [sflag:$0x1] =	stream.indirect_vreg.gather [hbm4b:s1+s3], $0x80, v4, vm0, $0xb8;
	[tilespmem:$0x8080] =	vst v63  }
0xae: {  	_ = 	snop  }
0xaf: {  	[tilespmem:s25], [sflag:$0x1] =	stream.indirect_vreg.gather [hbm4b:s1+s3], $0x80, v3, vm0, $0xb8;
	[tilespmem:$0x8080] =	vst v63  }
0xb0: {  	v3 =	vld [tilespmem:$0x60];
	_ =	sdelay $0x4  }
0xb1: {  	v46 =	vshll.u32 v3, $0x1  }
0xb2: {  	v3 =	vand.u32 $0x7, v3;
	v4 =	vand.u32 $0xFFFFFFF0, v46  }
0xb3: {  	v3 =	vor.u32 v3, v4  }
0xb4: {  	v4 =	vperm.xlane v3, v0;
	_ =	sdelay $0x1  }
0xb5: {  	v3 =	vperm.xlane v3, v2;
	v4 =	vadd.s32 v1, v4;
	_ =	sdelay $0x1  }
0xb6: {  	v3 =	vadd.s32 v1, v3;
	_ =	sdelay $0x2  }
0xb7: {  	[tilespmem:s26], [sflag:$0x1] =	stream.indirect_vreg.gather [hbm4b:s1+s3], $0x80, v4, vm0, $0xb8;
	[tilespmem:$0x8080] =	vst v63  }
0xb8: {  	_ = 	snop  }
0xb9: {  	[tilespmem:s28], [sflag:$0x1] =	stream.indirect_vreg.gather [hbm4b:s1+s3], $0x80, v3, vm0, $0xb8;
	[tilespmem:$0x8080] =	vst v63  }
0xba: {  	v3 =	vld [tilespmem:$0x70];
	_ =	sdelay $0x4  }
0xbb: {  	v47 =	vshll.u32 v3, $0x1  }
0xbc: {  	v3 =	vand.u32 $0x7, v3;
	v4 =	vand.u32 $0xFFFFFFF0, v47  }
0xbd: {  	v3 =	vor.u32 v3, v4  }
0xbe: {  	v4 =	vperm.xlane v3, v0;
	_ =	sdelay $0x1  }
0xbf: {  	v3 =	vperm.xlane v3, v2;
	v4 =	vadd.s32 v1, v4;
	_ =	sdelay $0x1  }
0xc0: {  	v3 =	vadd.s32 v1, v3;
	_ =	sdelay $0x2  }
0xc1: {  	[tilespmem:s29], [sflag:$0x1] =	stream.indirect_vreg.gather [hbm4b:s1+s3], $0x80, v4, vm0, $0xb8;
	[tilespmem:$0x8080] =	vst v63  }
0xc2: {  	_ = 	snop  }
0xc3: {  	[tilespmem:s30], [sflag:$0x1] =	stream.indirect_vreg.gather [hbm4b:s1+s3], $0x80, v3, vm0, $0xb8;
	[tilespmem:$0x8080] =	vst v63  }
0xc4: {  	_ =	swait.ge [sflag:s31], $0x8000  }
0xc5: {  	[sflag:s31] =	ssyncset.done $0x0  }
0xc6: {  	[sflag:s31] =	ssyncadd.s32 $0xFFFF8000  }
0xc7: {  	[hbm4b:s7+s3] =	stream.linear.scatter [tilespmem:s14], [sflag:$0x2], $0x8000, $0x38;
	[tilespmem:$0x8080] =	vst v63  }
0xc8: {  	_ =	swait.ge [sflag:s13], $0x8000  }
0xc9: {  	[sflag:s13] =	ssyncset.done $0x0  }
0xca: {  	[sflag:s13] =	ssyncadd.s32 $0xFFFF8000  }
0xcb: {  	[tilespmem:s3], [sflag:$0x2] =	stream.linear.gather [hbm4b:s8+s3], $0x80, $0x38;
	[tilespmem:$0x8080] =	vst v63  }
0xcc: {  	_ =	swait.ge [sflag:s13], $0x80  }
0xcd: {  	[sflag:s13] =	ssyncset.done $0x0  }
0xce: {  	[sflag:s13] =	ssyncadd.s32 $0xFFFFFF80  }
0xcf: {  	v3 =	vld [tilespmem:$0x0];
	_ =	sdelay $0x4  }
0xd0: {  	v48 =	vshll.u32 v3, $0x1  }
0xd1: {  	v3 =	vand.u32 $0x7, v3;
	v4 =	vand.u32 $0xFFFFFFF0, v48  }
0xd2: {  	v3 =	vor.u32 v3, v4  }
0xd3: {  	v4 =	vperm.xlane v3, v0;
	_ =	sdelay $0x1  }
0xd4: {  	v3 =	vperm.xlane v3, v2;
	v4 =	vadd.s32 v1, v4;
	_ =	sdelay $0x1  }
0xd5: {  	v3 =	vadd.s32 v1, v3;
	_ =	sdelay $0x2  }
0xd6: {  	[tilespmem:s14], [sflag:$0x1] =	stream.indirect_vreg.gather [hbm4b:s1+s3], $0x80, v4, vm0, $0xb8;
	[tilespmem:$0x8080] =	vst v63  }
0xd7: {  	_ = 	snop  }
0xd8: {  	[tilespmem:s15], [sflag:$0x1] =	stream.indirect_vreg.gather [hbm4b:s1+s3], $0x80, v3, vm0, $0xb8;
	[tilespmem:$0x8080] =	vst v63  }
0xd9: {  	v3 =	vld [tilespmem:$0x10];
	_ =	sdelay $0x4  }
0xda: {  	v49 =	vshll.u32 v3, $0x1  }
0xdb: {  	v3 =	vand.u32 $0x7, v3;
	v4 =	vand.u32 $0xFFFFFFF0, v49  }
0xdc: {  	v3 =	vor.u32 v3, v4  }
0xdd: {  	v4 =	vperm.xlane v3, v0;
	_ =	sdelay $0x1  }
0xde: {  	v3 =	vperm.xlane v3, v2;
	v4 =	vadd.s32 v1, v4;
	_ =	sdelay $0x1  }
0xdf: {  	v3 =	vadd.s32 v1, v3;
	_ =	sdelay $0x2  }
0xe0: {  	[tilespmem:s16], [sflag:$0x1] =	stream.indirect_vreg.gather [hbm4b:s1+s3], $0x80, v4, vm0, $0xb8;
	[tilespmem:$0x8080] =	vst v63  }
0xe1: {  	_ = 	snop  }
0xe2: {  	[tilespmem:s17], [sflag:$0x1] =	stream.indirect_vreg.gather [hbm4b:s1+s3], $0x80, v3, vm0, $0xb8;
	[tilespmem:$0x8080] =	vst v63  }
0xe3: {  	v3 =	vld [tilespmem:$0x20];
	_ =	sdelay $0x4  }
0xe4: {  	v50 =	vshll.u32 v3, $0x1  }
0xe5: {  	v3 =	vand.u32 $0x7, v3;
	v4 =	vand.u32 $0xFFFFFFF0, v50  }
0xe6: {  	v3 =	vor.u32 v3, v4  }
0xe7: {  	v4 =	vperm.xlane v3, v0;
	_ =	sdelay $0x1  }
0xe8: {  	v3 =	vperm.xlane v3, v2;
	v4 =	vadd.s32 v1, v4;
	_ =	sdelay $0x1  }
0xe9: {  	v3 =	vadd.s32 v1, v3;
	_ =	sdelay $0x2  }
0xea: {  	[tilespmem:s18], [sflag:$0x1] =	stream.indirect_vreg.gather [hbm4b:s1+s3], $0x80, v4, vm0, $0xb8;
	[tilespmem:$0x8080] =	vst v63  }
0xeb: {  	_ = 	snop  }
0xec: {  	[tilespmem:s19], [sflag:$0x1] =	stream.indirect_vreg.gather [hbm4b:s1+s3], $0x80, v3, vm0, $0xb8;
	[tilespmem:$0x8080] =	vst v63  }
0xed: {  	v3 =	vld [tilespmem:$0x30];
	_ =	sdelay $0x4  }
0xee: {  	v51 =	vshll.u32 v3, $0x1  }
0xef: {  	v3 =	vand.u32 $0x7, v3;
	v4 =	vand.u32 $0xFFFFFFF0, v51  }
0xf0: {  	v3 =	vor.u32 v3, v4  }
0xf1: {  	v4 =	vperm.xlane v3, v0;
	_ =	sdelay $0x1  }
0xf2: {  	v3 =	vperm.xlane v3, v2;
	v4 =	vadd.s32 v1, v4;
	_ =	sdelay $0x1  }
0xf3: {  	v3 =	vadd.s32 v1, v3;
	_ =	sdelay $0x2  }
0xf4: {  	[tilespmem:s20], [sflag:$0x1] =	stream.indirect_vreg.gather [hbm4b:s1+s3], $0x80, v4, vm0, $0xb8;
	[tilespmem:$0x8080] =	vst v63  }
0xf5: {  	_ = 	snop  }
0xf6: {  	[tilespmem:s21], [sflag:$0x1] =	stream.indirect_vreg.gather [hbm4b:s1+s3], $0x80, v3, vm0, $0xb8;
	[tilespmem:$0x8080] =	vst v63  }
0xf7: {  	v3 =	vld [tilespmem:$0x40];
	_ =	sdelay $0x4  }
0xf8: {  	v52 =	vshll.u32 v3, $0x1  }
0xf9: {  	v3 =	vand.u32 $0x7, v3;
	v4 =	vand.u32 $0xFFFFFFF0, v52  }
0xfa: {  	v3 =	vor.u32 v3, v4  }
0xfb: {  	v4 =	vperm.xlane v3, v0;
	_ =	sdelay $0x1  }
0xfc: {  	v3 =	vperm.xlane v3, v2;
	v4 =	vadd.s32 v1, v4;
	_ =	sdelay $0x1  }
0xfd: {  	v3 =	vadd.s32 v1, v3;
	_ =	sdelay $0x2  }
0xfe: {  	[tilespmem:s22], [sflag:$0x1] =	stream.indirect_vreg.gather [hbm4b:s1+s3], $0x80, v4, vm0, $0xb8;
	[tilespmem:$0x8080] =	vst v63  }
0xff: {  	_ = 	snop  }
0x100: {  	[tilespmem:s23], [sflag:$0x1] =	stream.indirect_vreg.gather [hbm4b:s1+s3], $0x80, v3, vm0, $0xb8;
	[tilespmem:$0x8080] =	vst v63  }
0x101: {  	v3 =	vld [tilespmem:$0x50];
	_ =	sdelay $0x4  }
0x102: {  	v53 =	vshll.u32 v3, $0x1  }
0x103: {  	v3 =	vand.u32 $0x7, v3;
	v4 =	vand.u32 $0xFFFFFFF0, v53  }
0x104: {  	v3 =	vor.u32 v3, v4  }
0x105: {  	v4 =	vperm.xlane v3, v0;
	_ =	sdelay $0x1  }
0x106: {  	v3 =	vperm.xlane v3, v2;
	v4 =	vadd.s32 v1, v4;
	_ =	sdelay $0x1  }
0x107: {  	v3 =	vadd.s32 v1, v3;
	_ =	sdelay $0x2  }
0x108: {  	[tilespmem:s24], [sflag:$0x1] =	stream.indirect_vreg.gather [hbm4b:s1+s3], $0x80, v4, vm0, $0xb8;
	[tilespmem:$0x8080] =	vst v63  }
0x109: {  	_ = 	snop  }
0x10a: {  	[tilespmem:s25], [sflag:$0x1] =	stream.indirect_vreg.gather [hbm4b:s1+s3], $0x80, v3, vm0, $0xb8;
	[tilespmem:$0x8080] =	vst v63  }
0x10b: {  	v3 =	vld [tilespmem:$0x60];
	_ =	sdelay $0x4  }
0x10c: {  	v54 =	vshll.u32 v3, $0x1  }
0x10d: {  	v3 =	vand.u32 $0x7, v3;
	v4 =	vand.u32 $0xFFFFFFF0, v54  }
0x10e: {  	v3 =	vor.u32 v3, v4  }
0x10f: {  	v4 =	vperm.xlane v3, v0;
	_ =	sdelay $0x1  }
0x110: {  	v3 =	vperm.xlane v3, v2;
	v4 =	vadd.s32 v1, v4;
	_ =	sdelay $0x1  }
0x111: {  	v3 =	vadd.s32 v1, v3;
	_ =	sdelay $0x2  }
0x112: {  	[tilespmem:s26], [sflag:$0x1] =	stream.indirect_vreg.gather [hbm4b:s1+s3], $0x80, v4, vm0, $0xb8;
	[tilespmem:$0x8080] =	vst v63  }
0x113: {  	_ = 	snop  }
0x114: {  	[tilespmem:s28], [sflag:$0x1] =	stream.indirect_vreg.gather [hbm4b:s1+s3], $0x80, v3, vm0, $0xb8;
	[tilespmem:$0x8080] =	vst v63  }
0x115: {  	v3 =	vld [tilespmem:$0x70];
	_ =	sdelay $0x4  }
0x116: {  	v55 =	vshll.u32 v3, $0x1  }
0x117: {  	v3 =	vand.u32 $0x7, v3;
	v4 =	vand.u32 $0xFFFFFFF0, v55  }
0x118: {  	v3 =	vor.u32 v3, v4  }
0x119: {  	v4 =	vperm.xlane v3, v0;
	_ =	sdelay $0x1  }
0x11a: {  	v3 =	vperm.xlane v3, v2;
	v4 =	vadd.s32 v1, v4;
	_ =	sdelay $0x1  }
0x11b: {  	v3 =	vadd.s32 v1, v3;
	_ =	sdelay $0x2  }
0x11c: {  	[tilespmem:s29], [sflag:$0x1] =	stream.indirect_vreg.gather [hbm4b:s1+s3], $0x80, v4, vm0, $0xb8;
	[tilespmem:$0x8080] =	vst v63  }
0x11d: {  	_ = 	snop  }
0x11e: {  	[tilespmem:s30], [sflag:$0x1] =	stream.indirect_vreg.gather [hbm4b:s1+s3], $0x80, v3, vm0, $0xb8;
	[tilespmem:$0x8080] =	vst v63  }
0x11f: {  	_ =	swait.ge [sflag:s31], $0x8000  }
0x120: {  	[sflag:s31] =	ssyncset.done $0x0  }
0x121: {  	[sflag:s31] =	ssyncadd.s32 $0xFFFF8000  }
0x122: {  	[hbm4b:s9+s3] =	stream.linear.scatter [tilespmem:s14], [sflag:$0x2], $0x8000, $0x38;
	[tilespmem:$0x8080] =	vst v63  }
0x123: {  	_ =	swait.ge [sflag:s13], $0x8000  }
0x124: {  	[sflag:s13] =	ssyncset.done $0x0  }
0x125: {  	[sflag:s13] =	ssyncadd.s32 $0xFFFF8000  }
0x126: {  	[tilespmem:s3], [sflag:$0x2] =	stream.linear.gather [hbm4b:s10+s3], $0x80, $0x38;
	[tilespmem:$0x8080] =	vst v63  }
0x127: {  	_ =	swait.ge [sflag:s13], $0x80  }
0x128: {  	[sflag:s13] =	ssyncset.done $0x0  }
0x129: {  	[sflag:s13] =	ssyncadd.s32 $0xFFFFFF80  }
0x12a: {  	v3 =	vld [tilespmem:$0x0];
	_ =	sdelay $0x4  }
0x12b: {  	v56 =	vshll.u32 v3, $0x1  }
0x12c: {  	v3 =	vand.u32 $0x7, v3;
	v4 =	vand.u32 $0xFFFFFFF0, v56  }
0x12d: {  	v3 =	vor.u32 v3, v4  }
0x12e: {  	v4 =	vperm.xlane v3, v0;
	_ =	sdelay $0x1  }
0x12f: {  	v3 =	vperm.xlane v3, v2;
	v4 =	vadd.s32 v1, v4;
	_ =	sdelay $0x1  }
0x130: {  	v3 =	vadd.s32 v1, v3;
	_ =	sdelay $0x2  }
0x131: {  	[tilespmem:s14], [sflag:$0x1] =	stream.indirect_vreg.gather [hbm4b:s1+s3], $0x80, v4, vm0, $0xb8;
	[tilespmem:$0x8080] =	vst v63  }
0x132: {  	_ = 	snop  }
0x133: {  	[tilespmem:s15], [sflag:$0x1] =	stream.indirect_vreg.gather [hbm4b:s1+s3], $0x80, v3, vm0, $0xb8;
	[tilespmem:$0x8080] =	vst v63  }
0x134: {  	v3 =	vld [tilespmem:$0x10];
	_ =	sdelay $0x4  }
0x135: {  	v57 =	vshll.u32 v3, $0x1  }
0x136: {  	v3 =	vand.u32 $0x7, v3;
	v4 =	vand.u32 $0xFFFFFFF0, v57  }
0x137: {  	v3 =	vor.u32 v3, v4  }
0x138: {  	v4 =	vperm.xlane v3, v0;
	_ =	sdelay $0x1  }
0x139: {  	v3 =	vperm.xlane v3, v2;
	v4 =	vadd.s32 v1, v4;
	_ =	sdelay $0x1  }
0x13a: {  	v3 =	vadd.s32 v1, v3;
	_ =	sdelay $0x2  }
0x13b: {  	[tilespmem:s16], [sflag:$0x1] =	stream.indirect_vreg.gather [hbm4b:s1+s3], $0x80, v4, vm0, $0xb8;
	[tilespmem:$0x8080] =	vst v63  }
0x13c: {  	_ = 	snop  }
0x13d: {  	[tilespmem:s17], [sflag:$0x1] =	stream.indirect_vreg.gather [hbm4b:s1+s3], $0x80, v3, vm0, $0xb8;
	[tilespmem:$0x8080] =	vst v63  }
0x13e: {  	v3 =	vld [tilespmem:$0x20];
	_ =	sdelay $0x4  }
0x13f: {  	v58 =	vshll.u32 v3, $0x1  }
0x140: {  	v3 =	vand.u32 $0x7, v3;
	v4 =	vand.u32 $0xFFFFFFF0, v58  }
0x141: {  	v3 =	vor.u32 v3, v4  }
0x142: {  	v4 =	vperm.xlane v3, v0;
	_ =	sdelay $0x1  }
0x143: {  	v3 =	vperm.xlane v3, v2;
	v4 =	vadd.s32 v1, v4;
	_ =	sdelay $0x1  }
0x144: {  	v3 =	vadd.s32 v1, v3;
	_ =	sdelay $0x2  }
0x145: {  	[tilespmem:s18], [sflag:$0x1] =	stream.indirect_vreg.gather [hbm4b:s1+s3], $0x80, v4, vm0, $0xb8;
	[tilespmem:$0x8080] =	vst v63  }
0x146: {  	_ = 	snop  }
0x147: {  	[tilespmem:s19], [sflag:$0x1] =	stream.indirect_vreg.gather [hbm4b:s1+s3], $0x80, v3, vm0, $0xb8;
	[tilespmem:$0x8080] =	vst v63  }
0x148: {  	v3 =	vld [tilespmem:$0x30];
	_ =	sdelay $0x4  }
0x149: {  	v59 =	vshll.u32 v3, $0x1  }
0x14a: {  	v3 =	vand.u32 $0x7, v3;
	v4 =	vand.u32 $0xFFFFFFF0, v59  }
0x14b: {  	v3 =	vor.u32 v3, v4  }
0x14c: {  	v4 =	vperm.xlane v3, v0;
	_ =	sdelay $0x1  }
0x14d: {  	v3 =	vperm.xlane v3, v2;
	v4 =	vadd.s32 v1, v4;
	_ =	sdelay $0x1  }
0x14e: {  	v3 =	vadd.s32 v1, v3;
	_ =	sdelay $0x2  }
0x14f: {  	[tilespmem:s20], [sflag:$0x1] =	stream.indirect_vreg.gather [hbm4b:s1+s3], $0x80, v4, vm0, $0xb8;
	[tilespmem:$0x8080] =	vst v63  }
0x150: {  	_ = 	snop  }
0x151: {  	[tilespmem:s21], [sflag:$0x1] =	stream.indirect_vreg.gather [hbm4b:s1+s3], $0x80, v3, vm0, $0xb8;
	[tilespmem:$0x8080] =	vst v63  }
0x152: {  	v3 =	vld [tilespmem:$0x40];
	_ =	sdelay $0x4  }
0x153: {  	v60 =	vshll.u32 v3, $0x1  }
0x154: {  	v3 =	vand.u32 $0x7, v3;
	v4 =	vand.u32 $0xFFFFFFF0, v60  }
0x155: {  	v3 =	vor.u32 v3, v4  }
0x156: {  	v4 =	vperm.xlane v3, v0;
	_ =	sdelay $0x1  }
0x157: {  	v3 =	vperm.xlane v3, v2;
	v4 =	vadd.s32 v1, v4;
	_ =	sdelay $0x1  }
0x158: {  	v3 =	vadd.s32 v1, v3;
	_ =	sdelay $0x2  }
0x159: {  	[tilespmem:s22], [sflag:$0x1] =	stream.indirect_vreg.gather [hbm4b:s1+s3], $0x80, v4, vm0, $0xb8;
	[tilespmem:$0x8080] =	vst v63  }
0x15a: {  	_ = 	snop  }
0x15b: {  	[tilespmem:s23], [sflag:$0x1] =	stream.indirect_vreg.gather [hbm4b:s1+s3], $0x80, v3, vm0, $0xb8;
	[tilespmem:$0x8080] =	vst v63  }
0x15c: {  	v3 =	vld [tilespmem:$0x50];
	_ =	sdelay $0x4  }
0x15d: {  	v61 =	vshll.u32 v3, $0x1  }
0x15e: {  	v3 =	vand.u32 $0x7, v3;
	v4 =	vand.u32 $0xFFFFFFF0, v61  }
0x15f: {  	v3 =	vor.u32 v3, v4  }
0x160: {  	v4 =	vperm.xlane v3, v0;
	_ =	sdelay $0x1  }
0x161: {  	v3 =	vperm.xlane v3, v2;
	v4 =	vadd.s32 v1, v4;
	_ =	sdelay $0x1  }
0x162: {  	v3 =	vadd.s32 v1, v3;
	_ =	sdelay $0x2  }
0x163: {  	[tilespmem:s24], [sflag:$0x1] =	stream.indirect_vreg.gather [hbm4b:s1+s3], $0x80, v4, vm0, $0xb8;
	[tilespmem:$0x8080] =	vst v63  }
0x164: {  	_ = 	snop  }
0x165: {  	[tilespmem:s25], [sflag:$0x1] =	stream.indirect_vreg.gather [hbm4b:s1+s3], $0x80, v3, vm0, $0xb8;
	[tilespmem:$0x8080] =	vst v63  }
0x166: {  	v3 =	vld [tilespmem:$0x60];
	_ =	sdelay $0x4  }
0x167: {  	v62 =	vshll.u32 v3, $0x1  }
0x168: {  	v3 =	vand.u32 $0x7, v3;
	v4 =	vand.u32 $0xFFFFFFF0, v62  }
0x169: {  	v3 =	vor.u32 v3, v4  }
0x16a: {  	v4 =	vperm.xlane v3, v0;
	_ =	sdelay $0x1  }
0x16b: {  	v3 =	vperm.xlane v3, v2;
	v4 =	vadd.s32 v1, v4;
	_ =	sdelay $0x1  }
0x16c: {  	v3 =	vadd.s32 v1, v3;
	_ =	sdelay $0x2  }
0x16d: {  	[tilespmem:s26], [sflag:$0x1] =	stream.indirect_vreg.gather [hbm4b:s1+s3], $0x80, v4, vm0, $0xb8;
	[tilespmem:$0x8080] =	vst v63  }
0x16e: {  	_ = 	snop  }
0x16f: {  	[tilespmem:s28], [sflag:$0x1] =	stream.indirect_vreg.gather [hbm4b:s1+s3], $0x80, v3, vm0, $0xb8;
	[tilespmem:$0x8080] =	vst v63  }
0x170: {  	v3 =	vld [tilespmem:$0x70];
	_ =	sdelay $0x4  }
0x171: {  	v63 =	vshll.u32 v3, $0x1  }
0x172: {  	v3 =	vand.u32 $0x7, v3;
	v4 =	vand.u32 $0xFFFFFFF0, v63  }
0x173: {  	v3 =	vor.u32 v3, v4  }
0x174: {  	v4 =	vperm.xlane v3, v0;
	_ =	sdelay $0x1  }
0x175: {  	v3 =	vperm.xlane v3, v2;
	v4 =	vadd.s32 v1, v4;
	_ =	sdelay $0x1  }
0x176: {  	v3 =	vadd.s32 v1, v3;
	_ =	sdelay $0x2  }
0x177: {  	[tilespmem:s29], [sflag:$0x1] =	stream.indirect_vreg.gather [hbm4b:s1+s3], $0x80, v4, vm0, $0xb8;
	[tilespmem:$0x8080] =	vst v63  }
0x178: {  	_ = 	snop  }
0x179: {  	[tilespmem:s30], [sflag:$0x1] =	stream.indirect_vreg.gather [hbm4b:s1+s3], $0x80, v3, vm0, $0xb8;
	[tilespmem:$0x8080] =	vst v63  }
0x17a: {  	_ =	swait.ge [sflag:s31], $0x8000  }
0x17b: {  	p0 =	sne.s32 s12, $0x1;
	[sflag:s31] =	ssyncset.done $0x0  }
.Ltmp0:
0x17c: {  	[sflag:s31] =	ssyncadd.s32 $0xFFFF8000;
	(pc) =	sbr.rel @p0 .LBB2_1-.Ltmp0, $4  }
0x17d: {  	[hbm4b:s11+s3] =	stream.linear.scatter [tilespmem:s14], [sflag:$0x2], $0x8000, $0x38;
	[tilespmem:$0x8080] =	vst v63  }
0x17e: {  	_ =	swait.ge [sflag:s13], $0x8000  }
0x17f: {  	[sflag:s13] =	ssyncset.done $0x0  }
0x180: {  	s12 =	sadd.s32 $0xFFFFFFFF, s12;
	[sflag:s13] =	ssyncadd.s32 $0xFFFF8000  }
0x181: {  	_ =	sfence.sel $0x180000  }
0x182: {  	[bflag:$0x0] =	sbarrier.arrive $0xFFFF  }
0x183: {  	p0 =	sne.s32 s2, $0x0;
	_ =	strace $0x90000047  }
0x184: {  	s0 =	sadd.s32 @!p0 $0x100000, s0;
	[bflag:$0x2] =	sbarrier.arrive $0xFFFF  }
0x185: {  	[sflag:s0] =	ssyncadd.tile.s32 @!p0 $0x1;
	_ =	shalt  }
.Lfunc_end2:
_tile_overlayer_lowered:
.L_overlay_start_2:
0x186: {  	(tag) =	ssettag $0x2  }
0x187: {  	s0 =	rddreg [dreg:$0x0];
	s2 =	stileid.u32  }
0x188: {  	s1 =	rddreg [dreg:$0x1];
	p0 =	sne.s32 s2, $0x0  }
0x189: {  	s3 =	rddreg [dreg:$0x2];
	[bflag:$0x3] =	sbarrier.arrive $0xFFFF;
	s2 =	simm.s32 @!p0 $0x1C02  }
0x18a: {  	[timem:s3], [sflag:s2] =	dma.local @!p0 [hbm:s0], s1  }
0x18b: {  	s0 =	simm.s32 @!p0 $0x2  }
0x18c: {  	_ =	swait.ge @!p0 [sflag:s0], s1  }
0x18d: {  	s1 =	ssub.s32 @!p0 $0x0, s1;
	[sflag:s0] =	ssyncset.done @!p0 $0x0  }
0x18e: {  	[sflag:s0] =	ssyncadd.s32 @!p0 s1  }
0x18f: {  	[bflag:$0x3] =	sbarrier.arrive $0xFFFF  }
0x190: {  	_ =	shalt  }

</sc_bundles>
